<compile_context>
chip_gen: v7x
topology: tpu7x:2x2x1
jax: 0.10.2.dev20260603
libtpu: 0.0.44.dev20260713+nightly
codegen_flags: <defaults>
</compile_context>

<pallas_src>
import functools

import jax
import jax.numpy as jnp
from jax import lax
from jax.experimental import pallas as pl
from jax.experimental.pallas import tpu as pltpu
from jax.experimental.pallas import tpu_sc as plsc

N = 10000
NE = 320000
D = 128

N_PAD = 10240
NC = 2
NS = 16
CHUNK = 128
TOTCH = 2560
FC = 80
SC_CH = TOTCH // NS - FC
NE_PAD = TOTCH * CHUNK
NE_STAGE = NE_PAD + 2 * CHUNK
RPS = N_PAD // NS

DNCHUNK = NE_PAD // (NC * NS * CHUNK)

_mesh = plsc.VectorSubcoreMesh(core_axis_name="c", subcore_axis_name="s")



@functools.partial(
    pl.kernel,
    out_type=jax.ShapeDtypeStruct((NC, N_PAD, D), jnp.float32),
    mesh=_mesh,
    scratch_types=[
        pltpu.VMEM((CHUNK,), jnp.int32),
        pltpu.VMEM((CHUNK, D), jnp.float32),
        pltpu.VMEM_SHARED((N_PAD, D), jnp.float32),
    ],
)
def _deg_kernel(dst_hbm, zeros_hbm, ones_hbm, out_hbm, dst_v, ones_v, acc_sh):
    c = lax.axis_index("c")
    s = lax.axis_index("s")
    pltpu.sync_copy(zeros_hbm.at[pl.ds(s * RPS, RPS)], acc_sh.at[pl.ds(s * RPS, RPS)])
    pltpu.sync_copy(ones_hbm, ones_v)
    plsc.subcore_barrier()
    base = (c * NS + s) * DNCHUNK * CHUNK

    def body(i, carry):
        pltpu.sync_copy(dst_hbm.at[pl.ds(base + i * CHUNK, CHUNK)], dst_v)
        pltpu.sync_copy(ones_v, acc_sh.at[dst_v], add=True)
        return carry

    lax.fori_loop(0, DNCHUNK, body, 0)
    plsc.subcore_barrier()
    pltpu.sync_copy(acc_sh.at[pl.ds(s * RPS, RPS)],
                    out_hbm.at[c].at[pl.ds(s * RPS, RPS)])


@functools.partial(
    pl.kernel,
    out_type=jax.ShapeDtypeStruct((NC, N_PAD, D), jnp.float32),
    mesh=_mesh,
    scratch_types=[
        pltpu.VMEM((CHUNK,), jnp.int32),
        pltpu.VMEM((CHUNK,), jnp.int32),
        pltpu.VMEM((CHUNK,), jnp.int32),
        pltpu.VMEM((CHUNK,), jnp.int32),
        pltpu.VMEM((CHUNK,), jnp.int32),
        pltpu.VMEM((CHUNK,), jnp.int32),
        pltpu.VMEM((CHUNK,), jnp.int32),
        pltpu.VMEM((CHUNK,), jnp.int32),
        pltpu.VMEM((CHUNK, D), jnp.float32),
        pltpu.VMEM((CHUNK, D), jnp.float32),
        pltpu.SemaphoreType.DMA,
        pltpu.SemaphoreType.DMA,
        pltpu.SemaphoreType.DMA,
        pltpu.SemaphoreType.DMA,
        pltpu.VMEM_SHARED((N_PAD, D), jnp.float32),
    ],
)
def _scatter_kernel(g_hbm, src_hbm, dst_hbm, zeros_hbm, out_hbm,
                    srcv0, srcv1, srcv2, srcv3, dstv0, dstv1, dstv2, dstv3,
                    rows0, rows1, gsem, gsem1, ssem0, ssem1, acc_sh):
    srcv = (srcv0, srcv1, srcv2, srcv3)
    dstv = (dstv0, dstv1, dstv2, dstv3)
    rows = (rows0, rows1)
    c = lax.axis_index("c")
    s = lax.axis_index("s")
    pltpu.sync_copy(zeros_hbm.at[pl.ds(s * RPS, RPS)], acc_sh.at[pl.ds(s * RPS, RPS)])
    plsc.subcore_barrier()
    base = (c * NS + s) * 80 * CHUNK
    nquad = 20

    def stage(off, islot):
        pltpu.sync_copy(src_hbm.at[pl.ds(off, CHUNK)], srcv[islot])
        pltpu.sync_copy(dst_hbm.at[pl.ds(off, CHUNK)], dstv[islot])

    def gather_start(rslot, islot):
        return pltpu.async_copy(g_hbm.at[srcv[islot]], rows[rslot], gsem)

    def scatter(rslot, islot):
        pltpu.sync_copy(rows[rslot], acc_sh.at[dstv[islot]], add=True)

    def body(q, carry):
        off = base + 4 * q * CHUNK
        for j in range(4):
            stage(off + j * CHUNK, j)
        d = gather_start(0, 0)
        d.wait()
        for j in range(3):
            d = gather_start((j + 1) % 2, j + 1)
            scatter(j % 2, j)
            d.wait()
        scatter(1, 3)
        return carry

    lax.fori_loop(0, nquad, body, 0)
    plsc.subcore_barrier()
    pltpu.sync_copy(acc_sh.at[pl.ds(s * RPS, RPS)],
                    out_hbm.at[c].at[pl.ds(s * RPS, RPS)])



_BLK = 1024
_GRID = N_PAD // _BLK


def _mm_body(x_ref, w_ref, h_ref):
    h_ref[...] = jnp.dot(x_ref[...], w_ref[...],
                         preferred_element_type=jnp.float32)


def _tc1_body(deg_ref, x_ref, w_ref, g_ref, dis_ref):
    deg = deg_ref[0] + deg_ref[1] + 1.0
    dis = lax.rsqrt(deg)
    h = jnp.dot(x_ref[...], w_ref[...], preferred_element_type=jnp.float32)
    g_ref[...] = h * dis
    dis_ref[...] = dis


def _tc2_body(p_ref, g1_ref, dis_ref, b1_ref, w2_ref, g2_ref):
    dis = dis_ref[...]
    out1 = jnp.maximum((p_ref[0] + p_ref[1] + g1_ref[...]) * dis + b1_ref[...], 0.0)
    h2 = jnp.dot(out1, w2_ref[...], preferred_element_type=jnp.float32)
    g2_ref[...] = h2 * dis


def _tc3_body(p_ref, g2_ref, dis_ref, b2_ref, out_ref):
    out_ref[...] = jnp.maximum(
        (p_ref[0] + p_ref[1] + g2_ref[...]) * dis_ref[...] + b2_ref[...], 0.0)


_mm = pl.pallas_call(
    _mm_body,
    grid=(_GRID,),
    in_specs=[
        pl.BlockSpec((_BLK, D), lambda i: (i, 0)),
        pl.BlockSpec((D, D), lambda i: (0, 0)),
    ],
    out_specs=pl.BlockSpec((_BLK, D), lambda i: (i, 0)),
    out_shape=jax.ShapeDtypeStruct((N_PAD, D), jnp.float32),
)

_tc1 = pl.pallas_call(
    _tc1_body,
    grid=(_GRID,),
    in_specs=[
        pl.BlockSpec((NC, _BLK, 1), lambda i: (0, i, 0)),
        pl.BlockSpec((_BLK, D), lambda i: (i, 0)),
        pl.BlockSpec((D, D), lambda i: (0, 0)),
    ],
    out_specs=[
        pl.BlockSpec((_BLK, D), lambda i: (i, 0)),
        pl.BlockSpec((_BLK, 1), lambda i: (i, 0)),
    ],
    out_shape=[
        jax.ShapeDtypeStruct((N_PAD, D), jnp.float32),
        jax.ShapeDtypeStruct((N_PAD, 1), jnp.float32),
    ],
)

_tc2 = pl.pallas_call(
    _tc2_body,
    grid=(_GRID,),
    in_specs=[
        pl.BlockSpec((NC, _BLK, D), lambda i: (0, i, 0)),
        pl.BlockSpec((_BLK, D), lambda i: (i, 0)),
        pl.BlockSpec((_BLK, 1), lambda i: (i, 0)),
        pl.BlockSpec((1, D), lambda i: (0, 0)),
        pl.BlockSpec((D, D), lambda i: (0, 0)),
    ],
    out_specs=pl.BlockSpec((_BLK, D), lambda i: (i, 0)),
    out_shape=jax.ShapeDtypeStruct((N_PAD, D), jnp.float32),
)

_tc3 = pl.pallas_call(
    _tc3_body,
    grid=(_GRID,),
    in_specs=[
        pl.BlockSpec((NC, _BLK, D), lambda i: (0, i, 0)),
        pl.BlockSpec((_BLK, D), lambda i: (i, 0)),
        pl.BlockSpec((_BLK, 1), lambda i: (i, 0)),
        pl.BlockSpec((1, D), lambda i: (0, 0)),
    ],
    out_specs=pl.BlockSpec((_BLK, D), lambda i: (i, 0)),
    out_shape=jax.ShapeDtypeStruct((N_PAD, D), jnp.float32),
)


def kernel(x, edge_index, W1, b1, W2, b2):
    pad_idx = jnp.full((NE_STAGE - NE,), N, dtype=jnp.int32)
    src_p = jnp.concatenate([edge_index[0], pad_idx])
    dst_p = jnp.concatenate([edge_index[1], pad_idx])
    x_pad = jnp.zeros((N_PAD, D), jnp.float32).at[:N].set(x)
    zeros_nd = jnp.zeros((N_PAD, D), jnp.float32)
    ones_cd = jnp.ones((CHUNK, D), jnp.float32)
    deg_pair = _deg_kernel(dst_p, zeros_nd, ones_cd)[:, :, 0:1]
    g1, dis = _tc1(deg_pair, x_pad, W1)
    p1 = _scatter_kernel(g1, src_p, dst_p, zeros_nd)
    g2 = _tc2(p1, g1, dis, b1.reshape(1, D), W2)
    p2 = _scatter_kernel(g2, src_p, dst_p, zeros_nd)
    out = _tc3(p2, g2, dis, b2.reshape(1, D))
    return out[:N]

# --- scband reference (transcript-rebuilt; emitter-appended) ---
"""Pipeline reference for scband-gcn-43499428774060 (READ-ONLY COPY).

The authoritative reference and input builder live on the scoring server;
editing this copy changes nothing except your own understanding.
"""

import jax
import jax.numpy as jnp
import numpy as np

N_NODES = 10000
N_EDGES = 320000
D_FEAT = 128
D_HID = 128


def gcn_conv(x, edge_index, W, b):
    # PyG GCNConv: add self-loops, symmetric normalization, linear, scatter-add aggregation, bias
    num_nodes = x.shape[0]
    loop = jnp.arange(num_nodes, dtype=edge_index.dtype)
    src = jnp.concatenate([edge_index[0], loop])
    dst = jnp.concatenate([edge_index[1], loop])
    deg = jnp.zeros((num_nodes,), dtype=x.dtype).at[dst].add(1.0)
    deg_inv_sqrt = jnp.where(deg > 0, jax.lax.rsqrt(jnp.maximum(deg, 1e-12)), 0.0)
    norm = deg_inv_sqrt[src] * deg_inv_sqrt[dst]
    h = x @ W
    msg = h[src] * norm[:, None]
    out = jnp.zeros_like(h).at[dst].add(msg)
    return out + b


def setup_inputs(seed: int = 0) -> dict:
    key = jax.random.key(seed)
    ks = jax.random.split(key, 6)
    x = jax.random.normal(ks[0], (N_NODES, D_FEAT), dtype=jnp.float32)
    edge_index = jax.random.randint(ks[1], (2, N_EDGES), 0, N_NODES, dtype=jnp.int32)
    # GCNConv glorot-initialized weights + zero bias per layer
    s1 = (6.0 / (D_FEAT + D_HID)) ** 0.5
    W1 = jax.random.uniform(ks[2], (D_FEAT, D_HID), dtype=jnp.float32, minval=-s1, maxval=s1)
    b1 = jnp.zeros((D_HID,), dtype=jnp.float32)
    s2 = (6.0 / (D_HID + D_HID)) ** 0.5
    W2 = jax.random.uniform(ks[3], (D_HID, D_HID), dtype=jnp.float32, minval=-s2, maxval=s2)
    b2 = jnp.zeros((D_HID,), dtype=jnp.float32)
    return {"x": x, "edge_index": edge_index, "W1": W1, "b1": b1, "W2": W2, "b2": b2}


def reference(x, edge_index, W1, b1, W2, b2):
    # layer 1
    h = gcn_conv(x, edge_index, W1, b1)
    h = jax.nn.relu(h)
    # F.dropout with training=False -> identity (eval mode)
    # layer 2
    h = gcn_conv(h, edge_index, W2, b2)
    h = jax.nn.relu(h)
    return h

if __name__ == "__main__":
    import jax
    _d = setup_inputs()
    print(jax.jit(kernel)(*tuple(_d.values())))

</pallas_src>

<mosaic_0001>
#map = affine_map<(d0, d1) -> (0, 0)>
#map1 = affine_map<(d0, d1) -> (0)>
#map2 = affine_map<(d0, d1) -> (0, 0, 0)>
module attributes {stable_mosaic.version = 14 : i64} {
  func.func @_scatter_kernel(%arg0: i32, %arg1: i32, %arg2: memref<10240x128xf32, #tpu.memory_space<hbm>>, %arg3: memref<327936xi32, #tpu.memory_space<hbm>>, %arg4: memref<327936xi32, #tpu.memory_space<hbm>>, %arg5: memref<10240x128xf32, #tpu.memory_space<hbm>>, %arg6: memref<2x10240x128xf32, #tpu.memory_space<hbm>>, %arg7: memref<128xi32, #tpu.memory_space<vmem>>, %arg8: memref<128xi32, #tpu.memory_space<vmem>>, %arg9: memref<128xi32, #tpu.memory_space<vmem>>, %arg10: memref<128xi32, #tpu.memory_space<vmem>>, %arg11: memref<128xi32, #tpu.memory_space<vmem>>, %arg12: memref<128xi32, #tpu.memory_space<vmem>>, %arg13: memref<128xi32, #tpu.memory_space<vmem>>, %arg14: memref<128xi32, #tpu.memory_space<vmem>>, %arg15: memref<128x128xf32, #tpu.memory_space<vmem>>, %arg16: memref<128x128xf32, #tpu.memory_space<vmem>>, %arg17: memref<!tpu.dma_semaphore, #tpu.memory_space<semaphore_mem>>, %arg18: memref<!tpu.dma_semaphore, #tpu.memory_space<semaphore_mem>>, %arg19: memref<!tpu.dma_semaphore, #tpu.memory_space<semaphore_mem>>, %arg20: memref<!tpu.dma_semaphore, #tpu.memory_space<semaphore_mem>>, %arg21: memref<10240x128xf32, #tpu.memory_space<vmem_shared>>) attributes {dimension_semantics = [#tpu.dimension_semantics<core_parallel>, #tpu.dimension_semantics<subcore_parallel>], iteration_bounds = array<i64: 2, 16>, scalar_prefetch = 0 : i64, scratch_operands = 15 : i64, tpu.core_type = #tpu.core_type<sc_vector_subcore>, window_params = [{transform_indices = #map}, {transform_indices = #map1}, {transform_indices = #map1}, {transform_indices = #map}, {transform_indices = #map2}]} {
    %mul3A = arith.constant 640 : i32
    %mul3A_0 = arith.muli %arg1, %mul3A : i32
    %mul3A_1 = arith.constant 640 : i32
    %mul3A_2 = arith.muli %arg1, %mul3A_1 : i32
    "tpu.region"() ({
      %run_scoped3A = tpu.sem_alloc : memref<!tpu.dma_semaphore, #tpu.memory_space<semaphore_mem>>
      %dma_start3A = arith.constant 0 : i32
      %dma_start3A_19 = tpu.memref_slice %arg21[%mul3A_2, %dma_start3A] : memref<10240x128xf32, #tpu.memory_space<vmem_shared>> -> memref<640x128xf32, #tpu.memory_space<vmem_shared>>
      %dma_start3A_20 = arith.constant 0 : i32
      %dma_start3A_21 = tpu.memref_slice %arg5[%mul3A_0, %dma_start3A_20] : memref<10240x128xf32, #tpu.memory_space<hbm>> -> memref<640x128xf32, #tpu.memory_space<hbm>>
      tpu.enqueue_dma source(%dma_start3A_21 : memref<640x128xf32, #tpu.memory_space<hbm>>) target(%dma_start3A_19 : memref<640x128xf32, #tpu.memory_space<vmem_shared>>) target_semaphore(%run_scoped3A : memref<!tpu.dma_semaphore, #tpu.memory_space<semaphore_mem>>)
      %dma_wait3A = arith.constant 0 : i32
      %dma_wait3A_22 = tpu.memref_slice %arg21[%mul3A_2, %dma_wait3A] : memref<10240x128xf32, #tpu.memory_space<vmem_shared>> -> memref<640x128xf32, #tpu.memory_space<vmem_shared>>
      %dma_wait3A_23 = arith.constant 0 : i32
      %dma_wait3A_24 = tpu.memref_slice %arg5[%mul3A_0, %dma_wait3A_23] : memref<10240x128xf32, #tpu.memory_space<hbm>> -> memref<640x128xf32, #tpu.memory_space<hbm>>
      tpu.wait_dma2 semaphore(%run_scoped3A : memref<!tpu.dma_semaphore, #tpu.memory_space<semaphore_mem>>) src(%dma_wait3A_24 : memref<640x128xf32, #tpu.memory_space<hbm>>) dst(%dma_wait3A_22 : memref<640x128xf32, #tpu.memory_space<vmem_shared>>)
      tpu.yield
    }) : () -> ()
    %barrier3A = arith.constant 0 : index
    tpu.barrier barrier_id(%barrier3A)
    %mul3A_3 = arith.constant 16 : i32
    %mul3A_4 = arith.muli %arg0, %mul3A_3 : i32
    %add3A = arith.addi %mul3A_4, %arg1 : i32
    %mul3A_5 = arith.constant 80 : i32
    %mul3A_6 = arith.muli %add3A, %mul3A_5 : i32
    %mul3A_7 = arith.constant 128 : i32
    %mul3A_8 = arith.muli %mul3A_6, %mul3A_7 : i32
    %scan3A = arith.constant 0 : i32
    %scan3A_9 = arith.constant 0 : i32
    %scan3A_10 = arith.constant 20 : i32
    %scan3A_11 = arith.addi %scan3A_9, %scan3A_10 : i32
    %scan3A_12 = arith.constant 1 : i32
    scf.for %scan3A_19 = %scan3A_9 to %scan3A_11 step %scan3A_12  : i32 {
      %mul3A_20 = arith.constant 4 : i32
      %mul3A_21 = arith.muli %mul3A_20, %scan3A_19 : i32
      %mul3A_22 = arith.constant 128 : i32
      %mul3A_23 = arith.muli %mul3A_21, %mul3A_22 : i32
      %add3A_24 = arith.addi %mul3A_8, %mul3A_23 : i32
      %add3A_25 = arith.constant 0 : i32
      %add3A_26 = arith.addi %add3A_24, %add3A_25 : i32
      "tpu.region"() ({
        %run_scoped3A = tpu.sem_alloc : memref<!tpu.dma_semaphore, #tpu.memory_space<semaphore_mem>>
        %dma_start3A_55 = tpu.memref_slice %arg3[%add3A_26] : memref<327936xi32, #tpu.memory_space<hbm>> -> memref<128xi32, #tpu.memory_space<hbm>>
        %dma_start3A_56 = tpu.memref_slice %arg3[%add3A_26] : memref<327936xi32, #tpu.memory_space<hbm>> -> memref<128xi32, #tpu.memory_space<hbm>>
        tpu.enqueue_dma source(%dma_start3A_56 : memref<128xi32, #tpu.memory_space<hbm>>) target(%arg7 : memref<128xi32, #tpu.memory_space<vmem>>) target_semaphore(%run_scoped3A : memref<!tpu.dma_semaphore, #tpu.memory_space<semaphore_mem>>)
        %dma_wait3A_57 = tpu.memref_slice %arg3[%add3A_26] : memref<327936xi32, #tpu.memory_space<hbm>> -> memref<128xi32, #tpu.memory_space<hbm>>
        %dma_wait3A_58 = tpu.memref_slice %arg3[%add3A_26] : memref<327936xi32, #tpu.memory_space<hbm>> -> memref<128xi32, #tpu.memory_space<hbm>>
        tpu.wait_dma2 semaphore(%run_scoped3A : memref<!tpu.dma_semaphore, #tpu.memory_space<semaphore_mem>>) src(%dma_wait3A_58 : memref<128xi32, #tpu.memory_space<hbm>>) dst(%arg7 : memref<128xi32, #tpu.memory_space<vmem>>)
        tpu.yield
      }) : () -> ()
      "tpu.region"() ({
        %run_scoped3A = tpu.sem_alloc : memref<!tpu.dma_semaphore, #tpu.memory_space<semaphore_mem>>
        %dma_start3A_55 = tpu.memref_slice %arg4[%add3A_26] : memref<327936xi32, #tpu.memory_space<hbm>> -> memref<128xi32, #tpu.memory_space<hbm>>
        %dma_start3A_56 = tpu.memref_slice %arg4[%add3A_26] : memref<327936xi32, #tpu.memory_space<hbm>> -> memref<128xi32, #tpu.memory_space<hbm>>
        tpu.enqueue_dma source(%dma_start3A_56 : memref<128xi32, #tpu.memory_space<hbm>>) target(%arg11 : memref<128xi32, #tpu.memory_space<vmem>>) target_semaphore(%run_scoped3A : memref<!tpu.dma_semaphore, #tpu.memory_space<semaphore_mem>>)
        %dma_wait3A_57 = tpu.memref_slice %arg4[%add3A_26] : memref<327936xi32, #tpu.memory_space<hbm>> -> memref<128xi32, #tpu.memory_space<hbm>>
        %dma_wait3A_58 = tpu.memref_slice %arg4[%add3A_26] : memref<327936xi32, #tpu.memory_space<hbm>> -> memref<128xi32, #tpu.memory_space<hbm>>
        tpu.wait_dma2 semaphore(%run_scoped3A : memref<!tpu.dma_semaphore, #tpu.memory_space<semaphore_mem>>) src(%dma_wait3A_58 : memref<128xi32, #tpu.memory_space<hbm>>) dst(%arg11 : memref<128xi32, #tpu.memory_space<vmem>>)
        tpu.yield
      }) : () -> ()
      %add3A_27 = arith.constant 128 : i32
      %add3A_28 = arith.addi %add3A_24, %add3A_27 : i32
      "tpu.region"() ({
        %run_scoped3A = tpu.sem_alloc : memref<!tpu.dma_semaphore, #tpu.memory_space<semaphore_mem>>
        %dma_start3A_55 = tpu.memref_slice %arg3[%add3A_28] : memref<327936xi32, #tpu.memory_space<hbm>> -> memref<128xi32, #tpu.memory_space<hbm>>
        %dma_start3A_56 = tpu.memref_slice %arg3[%add3A_28] : memref<327936xi32, #tpu.memory_space<hbm>> -> memref<128xi32, #tpu.memory_space<hbm>>
        tpu.enqueue_dma source(%dma_start3A_56 : memref<128xi32, #tpu.memory_space<hbm>>) target(%arg8 : memref<128xi32, #tpu.memory_space<vmem>>) target_semaphore(%run_scoped3A : memref<!tpu.dma_semaphore, #tpu.memory_space<semaphore_mem>>)
        %dma_wait3A_57 = tpu.memref_slice %arg3[%add3A_28] : memref<327936xi32, #tpu.memory_space<hbm>> -> memref<128xi32, #tpu.memory_space<hbm>>
        %dma_wait3A_58 = tpu.memref_slice %arg3[%add3A_28] : memref<327936xi32, #tpu.memory_space<hbm>> -> memref<128xi32, #tpu.memory_space<hbm>>
        tpu.wait_dma2 semaphore(%run_scoped3A : memref<!tpu.dma_semaphore, #tpu.memory_space<semaphore_mem>>) src(%dma_wait3A_58 : memref<128xi32, #tpu.memory_space<hbm>>) dst(%arg8 : memref<128xi32, #tpu.memory_space<vmem>>)
        tpu.yield
      }) : () -> ()
      "tpu.region"() ({
        %run_scoped3A = tpu.sem_alloc : memref<!tpu.dma_semaphore, #tpu.memory_space<semaphore_mem>>
        %dma_start3A_55 = tpu.memref_slice %arg4[%add3A_28] : memref<327936xi32, #tpu.memory_space<hbm>> -> memref<128xi32, #tpu.memory_space<hbm>>
        %dma_start3A_56 = tpu.memref_slice %arg4[%add3A_28] : memref<327936xi32, #tpu.memory_space<hbm>> -> memref<128xi32, #tpu.memory_space<hbm>>
        tpu.enqueue_dma source(%dma_start3A_56 : memref<128xi32, #tpu.memory_space<hbm>>) target(%arg12 : memref<128xi32, #tpu.memory_space<vmem>>) target_semaphore(%run_scoped3A : memref<!tpu.dma_semaphore, #tpu.memory_space<semaphore_mem>>)
        %dma_wait3A_57 = tpu.memref_slice %arg4[%add3A_28] : memref<327936xi32, #tpu.memory_space<hbm>> -> memref<128xi32, #tpu.memory_space<hbm>>
        %dma_wait3A_58 = tpu.memref_slice %arg4[%add3A_28] : memref<327936xi32, #tpu.memory_space<hbm>> -> memref<128xi32, #tpu.memory_space<hbm>>
        tpu.wait_dma2 semaphore(%run_scoped3A : memref<!tpu.dma_semaphore, #tpu.memory_space<semaphore_mem>>) src(%dma_wait3A_58 : memref<128xi32, #tpu.memory_space<hbm>>) dst(%arg12 : memref<128xi32, #tpu.memory_space<vmem>>)
        tpu.yield
      }) : () -> ()
      %add3A_29 = arith.constant 256 : i32
      %add3A_30 = arith.addi %add3A_24, %add3A_29 : i32
      "tpu.region"() ({
        %run_scoped3A = tpu.sem_alloc : memref<!tpu.dma_semaphore, #tpu.memory_space<semaphore_mem>>
        %dma_start3A_55 = tpu.memref_slice %arg3[%add3A_30] : memref<327936xi32, #tpu.memory_space<hbm>> -> memref<128xi32, #tpu.memory_space<hbm>>
        %dma_start3A_56 = tpu.memref_slice %arg3[%add3A_30] : memref<327936xi32, #tpu.memory_space<hbm>> -> memref<128xi32, #tpu.memory_space<hbm>>
        tpu.enqueue_dma source(%dma_start3A_56 : memref<128xi32, #tpu.memory_space<hbm>>) target(%arg9 : memref<128xi32, #tpu.memory_space<vmem>>) target_semaphore(%run_scoped3A : memref<!tpu.dma_semaphore, #tpu.memory_space<semaphore_mem>>)
        %dma_wait3A_57 = tpu.memref_slice %arg3[%add3A_30] : memref<327936xi32, #tpu.memory_space<hbm>> -> memref<128xi32, #tpu.memory_space<hbm>>
        %dma_wait3A_58 = tpu.memref_slice %arg3[%add3A_30] : memref<327936xi32, #tpu.memory_space<hbm>> -> memref<128xi32, #tpu.memory_space<hbm>>
        tpu.wait_dma2 semaphore(%run_scoped3A : memref<!tpu.dma_semaphore, #tpu.memory_space<semaphore_mem>>) src(%dma_wait3A_58 : memref<128xi32, #tpu.memory_space<hbm>>) dst(%arg9 : memref<128xi32, #tpu.memory_space<vmem>>)
        tpu.yield
      }) : () -> ()
      "tpu.region"() ({
        %run_scoped3A = tpu.sem_alloc : memref<!tpu.dma_semaphore, #tpu.memory_space<semaphore_mem>>
        %dma_start3A_55 = tpu.memref_slice %arg4[%add3A_30] : memref<327936xi32, #tpu.memory_space<hbm>> -> memref<128xi32, #tpu.memory_space<hbm>>
        %dma_start3A_56 = tpu.memref_slice %arg4[%add3A_30] : memref<327936xi32, #tpu.memory_space<hbm>> -> memref<128xi32, #tpu.memory_space<hbm>>
        tpu.enqueue_dma source(%dma_start3A_56 : memref<128xi32, #tpu.memory_space<hbm>>) target(%arg13 : memref<128xi32, #tpu.memory_space<vmem>>) target_semaphore(%run_scoped3A : memref<!tpu.dma_semaphore, #tpu.memory_space<semaphore_mem>>)
        %dma_wait3A_57 = tpu.memref_slice %arg4[%add3A_30] : memref<327936xi32, #tpu.memory_space<hbm>> -> memref<128xi32, #tpu.memory_space<hbm>>
        %dma_wait3A_58 = tpu.memref_slice %arg4[%add3A_30] : memref<327936xi32, #tpu.memory_space<hbm>> -> memref<128xi32, #tpu.memory_space<hbm>>
        tpu.wait_dma2 semaphore(%run_scoped3A : memref<!tpu.dma_semaphore, #tpu.memory_space<semaphore_mem>>) src(%dma_wait3A_58 : memref<128xi32, #tpu.memory_space<hbm>>) dst(%arg13 : memref<128xi32, #tpu.memory_space<vmem>>)
        tpu.yield
      }) : () -> ()
      %add3A_31 = arith.constant 384 : i32
      %add3A_32 = arith.addi %add3A_24, %add3A_31 : i32
      "tpu.region"() ({
        %run_scoped3A = tpu.sem_alloc : memref<!tpu.dma_semaphore, #tpu.memory_space<semaphore_mem>>
        %dma_start3A_55 = tpu.memref_slice %arg3[%add3A_32] : memref<327936xi32, #tpu.memory_space<hbm>> -> memref<128xi32, #tpu.memory_space<hbm>>
        %dma_start3A_56 = tpu.memref_slice %arg3[%add3A_32] : memref<327936xi32, #tpu.memory_space<hbm>> -> memref<128xi32, #tpu.memory_space<hbm>>
        tpu.enqueue_dma source(%dma_start3A_56 : memref<128xi32, #tpu.memory_space<hbm>>) target(%arg10 : memref<128xi32, #tpu.memory_space<vmem>>) target_semaphore(%run_scoped3A : memref<!tpu.dma_semaphore, #tpu.memory_space<semaphore_mem>>)
        %dma_wait3A_57 = tpu.memref_slice %arg3[%add3A_32] : memref<327936xi32, #tpu.memory_space<hbm>> -> memref<128xi32, #tpu.memory_space<hbm>>
        %dma_wait3A_58 = tpu.memref_slice %arg3[%add3A_32] : memref<327936xi32, #tpu.memory_space<hbm>> -> memref<128xi32, #tpu.memory_space<hbm>>
        tpu.wait_dma2 semaphore(%run_scoped3A : memref<!tpu.dma_semaphore, #tpu.memory_space<semaphore_mem>>) src(%dma_wait3A_58 : memref<128xi32, #tpu.memory_space<hbm>>) dst(%arg10 : memref<128xi32, #tpu.memory_space<vmem>>)
        tpu.yield
      }) : () -> ()
      "tpu.region"() ({
        %run_scoped3A = tpu.sem_alloc : memref<!tpu.dma_semaphore, #tpu.memory_space<semaphore_mem>>
        %dma_start3A_55 = tpu.memref_slice %arg4[%add3A_32] : memref<327936xi32, #tpu.memory_space<hbm>> -> memref<128xi32, #tpu.memory_space<hbm>>
        %dma_start3A_56 = tpu.memref_slice %arg4[%add3A_32] : memref<327936xi32, #tpu.memory_space<hbm>> -> memref<128xi32, #tpu.memory_space<hbm>>
        tpu.enqueue_dma source(%dma_start3A_56 : memref<128xi32, #tpu.memory_space<hbm>>) target(%arg14 : memref<128xi32, #tpu.memory_space<vmem>>) target_semaphore(%run_scoped3A : memref<!tpu.dma_semaphore, #tpu.memory_space<semaphore_mem>>)
        %dma_wait3A_57 = tpu.memref_slice %arg4[%add3A_32] : memref<327936xi32, #tpu.memory_space<hbm>> -> memref<128xi32, #tpu.memory_space<hbm>>
        %dma_wait3A_58 = tpu.memref_slice %arg4[%add3A_32] : memref<327936xi32, #tpu.memory_space<hbm>> -> memref<128xi32, #tpu.memory_space<hbm>>
        tpu.wait_dma2 semaphore(%run_scoped3A : memref<!tpu.dma_semaphore, #tpu.memory_space<semaphore_mem>>) src(%dma_wait3A_58 : memref<128xi32, #tpu.memory_space<hbm>>) dst(%arg14 : memref<128xi32, #tpu.memory_space<vmem>>)
        tpu.yield
      }) : () -> ()
      %dma_start3A = arith.constant 0 : i32
      %dma_start3A_33 = arith.constant 0 : i32
      %dma_start3A_34 = tpu.memref_slice %arg2[%dma_start3A, %dma_start3A_33] : memref<10240x128xf32, #tpu.memory_space<hbm>> -> memref<10240x128xf32, #tpu.memory_space<hbm>>
      tpu.enqueue_indirect_dma source(%dma_start3A_34 : memref<10240x128xf32, #tpu.memory_space<hbm>>) target(%arg15 : memref<128x128xf32, #tpu.memory_space<vmem>>) offsets(%arg7 : memref<128xi32, #tpu.memory_space<vmem>>) semaphore(%arg17 : memref<!tpu.dma_semaphore, #tpu.memory_space<semaphore_mem>>)
      %dma_wait3A = arith.constant 0 : i32
      %dma_wait3A_35 = arith.constant 0 : i32
      %dma_wait3A_36 = tpu.memref_slice %arg2[%dma_wait3A, %dma_wait3A_35] : memref<10240x128xf32, #tpu.memory_space<hbm>> -> memref<10240x128xf32, #tpu.memory_space<hbm>>
      tpu.wait_indirect_dma semaphore(%arg17 : memref<!tpu.dma_semaphore, #tpu.memory_space<semaphore_mem>>) src(%dma_wait3A_36 : memref<10240x128xf32, #tpu.memory_space<hbm>>) dst(%arg15 : memref<128x128xf32, #tpu.memory_space<vmem>>)
      %dma_start3A_37 = arith.constant 0 : i32
      %dma_start3A_38 = arith.constant 0 : i32
      %dma_start3A_39 = tpu.memref_slice %arg2[%dma_start3A_37, %dma_start3A_38] : memref<10240x128xf32, #tpu.memory_space<hbm>> -> memref<10240x128xf32, #tpu.memory_space<hbm>>
      tpu.enqueue_indirect_dma source(%dma_start3A_39 : memref<10240x128xf32, #tpu.memory_space<hbm>>) target(%arg16 : memref<128x128xf32, #tpu.memory_space<vmem>>) offsets(%arg8 : memref<128xi32, #tpu.memory_space<vmem>>) semaphore(%arg17 : memref<!tpu.dma_semaphore, #tpu.memory_space<semaphore_mem>>)
      "tpu.region"() ({
        %run_scoped3A = tpu.sem_alloc : memref<!tpu.dma_semaphore, #tpu.memory_space<semaphore_mem>>
        %dma_start3A_55 = arith.constant 0 : i32
        %dma_start3A_56 = arith.constant 0 : i32
        %dma_start3A_57 = tpu.memref_slice %arg21[%dma_start3A_55, %dma_start3A_56] : memref<10240x128xf32, #tpu.memory_space<vmem_shared>> -> memref<10240x128xf32, #tpu.memory_space<vmem_shared>>
        tpu.enqueue_indirect_dma source(%arg15 : memref<128x128xf32, #tpu.memory_space<vmem>>) target(%dma_start3A_57 : memref<10240x128xf32, #tpu.memory_space<vmem_shared>>) offsets(%arg11 : memref<128xi32, #tpu.memory_space<vmem>>) semaphore(%run_scoped3A : memref<!tpu.dma_semaphore, #tpu.memory_space<semaphore_mem>>) {add = true}
        %dma_wait3A_58 = arith.constant 0 : i32
        %dma_wait3A_59 = arith.constant 0 : i32
        %dma_wait3A_60 = tpu.memref_slice %arg21[%dma_wait3A_58, %dma_wait3A_59] : memref<10240x128xf32, #tpu.memory_space<vmem_shared>> -> memref<10240x128xf32, #tpu.memory_space<vmem_shared>>
        tpu.wait_indirect_dma semaphore(%run_scoped3A : memref<!tpu.dma_semaphore, #tpu.memory_space<semaphore_mem>>) src(%arg15 : memref<128x128xf32, #tpu.memory_space<vmem>>) dst(%dma_wait3A_60 : memref<10240x128xf32, #tpu.memory_space<vmem_shared>>)
        tpu.yield
      }) : () -> ()
      %dma_wait3A_40 = arith.constant 0 : i32
      %dma_wait3A_41 = arith.constant 0 : i32
      %dma_wait3A_42 = tpu.memref_slice %arg2[%dma_wait3A_40, %dma_wait3A_41] : memref<10240x128xf32, #tpu.memory_space<hbm>> -> memref<10240x128xf32, #tpu.memory_space<hbm>>
      tpu.wait_indirect_dma semaphore(%arg17 : memref<!tpu.dma_semaphore, #tpu.memory_space<semaphore_mem>>) src(%dma_wait3A_42 : memref<10240x128xf32, #tpu.memory_space<hbm>>) dst(%arg16 : memref<128x128xf32, #tpu.memory_space<vmem>>)
      %dma_start3A_43 = arith.constant 0 : i32
      %dma_start3A_44 = arith.constant 0 : i32
      %dma_start3A_45 = tpu.memref_slice %arg2[%dma_start3A_43, %dma_start3A_44] : memref<10240x128xf32, #tpu.memory_space<hbm>> -> memref<10240x128xf32, #tpu.memory_space<hbm>>
      tpu.enqueue_indirect_dma source(%dma_start3A_45 : memref<10240x128xf32, #tpu.memory_space<hbm>>) target(%arg15 : memref<128x128xf32, #tpu.memory_space<vmem>>) offsets(%arg9 : memref<128xi32, #tpu.memory_space<vmem>>) semaphore(%arg17 : memref<!tpu.dma_semaphore, #tpu.memory_space<semaphore_mem>>)
      "tpu.region"() ({
        %run_scoped3A = tpu.sem_alloc : memref<!tpu.dma_semaphore, #tpu.memory_space<semaphore_mem>>
        %dma_start3A_55 = arith.constant 0 : i32
        %dma_start3A_56 = arith.constant 0 : i32
        %dma_start3A_57 = tpu.memref_slice %arg21[%dma_start3A_55, %dma_start3A_56] : memref<10240x128xf32, #tpu.memory_space<vmem_shared>> -> memref<10240x128xf32, #tpu.memory_space<vmem_shared>>
        tpu.enqueue_indirect_dma source(%arg16 : memref<128x128xf32, #tpu.memory_space<vmem>>) target(%dma_start3A_57 : memref<10240x128xf32, #tpu.memory_space<vmem_shared>>) offsets(%arg12 : memref<128xi32, #tpu.memory_space<vmem>>) semaphore(%run_scoped3A : memref<!tpu.dma_semaphore, #tpu.memory_space<semaphore_mem>>) {add = true}
        %dma_wait3A_58 = arith.constant 0 : i32
        %dma_wait3A_59 = arith.constant 0 : i32
        %dma_wait3A_60 = tpu.memref_slice %arg21[%dma_wait3A_58, %dma_wait3A_59] : memref<10240x128xf32, #tpu.memory_space<vmem_shared>> -> memref<10240x128xf32, #tpu.memory_space<vmem_shared>>
        tpu.wait_indirect_dma semaphore(%run_scoped3A : memref<!tpu.dma_semaphore, #tpu.memory_space<semaphore_mem>>) src(%arg16 : memref<128x128xf32, #tpu.memory_space<vmem>>) dst(%dma_wait3A_60 : memref<10240x128xf32, #tpu.memory_space<vmem_shared>>)
        tpu.yield
      }) : () -> ()
      %dma_wait3A_46 = arith.constant 0 : i32
      %dma_wait3A_47 = arith.constant 0 : i32
      %dma_wait3A_48 = tpu.memref_slice %arg2[%dma_wait3A_46, %dma_wait3A_47] : memref<10240x128xf32, #tpu.memory_space<hbm>> -> memref<10240x128xf32, #tpu.memory_space<hbm>>
      tpu.wait_indirect_dma semaphore(%arg17 : memref<!tpu.dma_semaphore, #tpu.memory_space<semaphore_mem>>) src(%dma_wait3A_48 : memref<10240x128xf32, #tpu.memory_space<hbm>>) dst(%arg15 : memref<128x128xf32, #tpu.memory_space<vmem>>)
      %dma_start3A_49 = arith.constant 0 : i32
      %dma_start3A_50 = arith.constant 0 : i32
      %dma_start3A_51 = tpu.memref_slice %arg2[%dma_start3A_49, %dma_start3A_50] : memref<10240x128xf32, #tpu.memory_space<hbm>> -> memref<10240x128xf32, #tpu.memory_space<hbm>>
      tpu.enqueue_indirect_dma source(%dma_start3A_51 : memref<10240x128xf32, #tpu.memory_space<hbm>>) target(%arg16 : memref<128x128xf32, #tpu.memory_space<vmem>>) offsets(%arg10 : memref<128xi32, #tpu.memory_space<vmem>>) semaphore(%arg17 : memref<!tpu.dma_semaphore, #tpu.memory_space<semaphore_mem>>)
      "tpu.region"() ({
        %run_scoped3A = tpu.sem_alloc : memref<!tpu.dma_semaphore, #tpu.memory_space<semaphore_mem>>
        %dma_start3A_55 = arith.constant 0 : i32
        %dma_start3A_56 = arith.constant 0 : i32
        %dma_start3A_57 = tpu.memref_slice %arg21[%dma_start3A_55, %dma_start3A_56] : memref<10240x128xf32, #tpu.memory_space<vmem_shared>> -> memref<10240x128xf32, #tpu.memory_space<vmem_shared>>
        tpu.enqueue_indirect_dma source(%arg15 : memref<128x128xf32, #tpu.memory_space<vmem>>) target(%dma_start3A_57 : memref<10240x128xf32, #tpu.memory_space<vmem_shared>>) offsets(%arg13 : memref<128xi32, #tpu.memory_space<vmem>>) semaphore(%run_scoped3A : memref<!tpu.dma_semaphore, #tpu.memory_space<semaphore_mem>>) {add = true}
        %dma_wait3A_58 = arith.constant 0 : i32
        %dma_wait3A_59 = arith.constant 0 : i32
        %dma_wait3A_60 = tpu.memref_slice %arg21[%dma_wait3A_58, %dma_wait3A_59] : memref<10240x128xf32, #tpu.memory_space<vmem_shared>> -> memref<10240x128xf32, #tpu.memory_space<vmem_shared>>
        tpu.wait_indirect_dma semaphore(%run_scoped3A : memref<!tpu.dma_semaphore, #tpu.memory_space<semaphore_mem>>) src(%arg15 : memref<128x128xf32, #tpu.memory_space<vmem>>) dst(%dma_wait3A_60 : memref<10240x128xf32, #tpu.memory_space<vmem_shared>>)
        tpu.yield
      }) : () -> ()
      %dma_wait3A_52 = arith.constant 0 : i32
      %dma_wait3A_53 = arith.constant 0 : i32
      %dma_wait3A_54 = tpu.memref_slice %arg2[%dma_wait3A_52, %dma_wait3A_53] : memref<10240x128xf32, #tpu.memory_space<hbm>> -> memref<10240x128xf32, #tpu.memory_space<hbm>>
      tpu.wait_indirect_dma semaphore(%arg17 : memref<!tpu.dma_semaphore, #tpu.memory_space<semaphore_mem>>) src(%dma_wait3A_54 : memref<10240x128xf32, #tpu.memory_space<hbm>>) dst(%arg16 : memref<128x128xf32, #tpu.memory_space<vmem>>)
      "tpu.region"() ({
        %run_scoped3A = tpu.sem_alloc : memref<!tpu.dma_semaphore, #tpu.memory_space<semaphore_mem>>
        %dma_start3A_55 = arith.constant 0 : i32
        %dma_start3A_56 = arith.constant 0 : i32
        %dma_start3A_57 = tpu.memref_slice %arg21[%dma_start3A_55, %dma_start3A_56] : memref<10240x128xf32, #tpu.memory_space<vmem_shared>> -> memref<10240x128xf32, #tpu.memory_space<vmem_shared>>
        tpu.enqueue_indirect_dma source(%arg16 : memref<128x128xf32, #tpu.memory_space<vmem>>) target(%dma_start3A_57 : memref<10240x128xf32, #tpu.memory_space<vmem_shared>>) offsets(%arg14 : memref<128xi32, #tpu.memory_space<vmem>>) semaphore(%run_scoped3A : memref<!tpu.dma_semaphore, #tpu.memory_space<semaphore_mem>>) {add = true}
        %dma_wait3A_58 = arith.constant 0 : i32
        %dma_wait3A_59 = arith.constant 0 : i32
        %dma_wait3A_60 = tpu.memref_slice %arg21[%dma_wait3A_58, %dma_wait3A_59] : memref<10240x128xf32, #tpu.memory_space<vmem_shared>> -> memref<10240x128xf32, #tpu.memory_space<vmem_shared>>
        tpu.wait_indirect_dma semaphore(%run_scoped3A : memref<!tpu.dma_semaphore, #tpu.memory_space<semaphore_mem>>) src(%arg16 : memref<128x128xf32, #tpu.memory_space<vmem>>) dst(%dma_wait3A_60 : memref<10240x128xf32, #tpu.memory_space<vmem_shared>>)
        tpu.yield
      }) : () -> ()
    }
    %scan3A_13 = arith.constant 20 : i32
    %barrier3A_14 = arith.constant 0 : index
    tpu.barrier barrier_id(%barrier3A_14)
    %mul3A_15 = arith.constant 640 : i32
    %mul3A_16 = arith.muli %arg1, %mul3A_15 : i32
    %mul3A_17 = arith.constant 640 : i32
    %mul3A_18 = arith.muli %arg1, %mul3A_17 : i32
    "tpu.region"() ({
      %run_scoped3A = tpu.sem_alloc : memref<!tpu.dma_semaphore, #tpu.memory_space<semaphore_mem>>
      %dma_start3A = arith.constant 0 : i32
      %dma_start3A_19 = arith.constant 0 : i32
      %dma_start3A_20 = tpu.memref_slice %arg6[%arg0, %dma_start3A, %dma_start3A_19] : memref<2x10240x128xf32, #tpu.memory_space<hbm>> -> memref<1x10240x128xf32, #tpu.memory_space<hbm>>
      %dma_start3A_21 = tpu.memref_squeeze %dma_start3A_20 : memref<1x10240x128xf32, #tpu.memory_space<hbm>> -> memref<10240x128xf32, #tpu.memory_space<hbm>>
      %dma_start3A_22 = arith.constant 0 : i32
      %dma_start3A_23 = tpu.memref_slice %dma_start3A_21[%mul3A_18, %dma_start3A_22] : memref<10240x128xf32, #tpu.memory_space<hbm>> -> memref<640x128xf32, #tpu.memory_space<hbm>>
      %dma_start3A_24 = arith.constant 0 : i32
      %dma_start3A_25 = tpu.memref_slice %arg21[%mul3A_16, %dma_start3A_24] : memref<10240x128xf32, #tpu.memory_space<vmem_shared>> -> memref<640x128xf32, #tpu.memory_space<vmem_shared>>
      tpu.enqueue_dma source(%dma_start3A_25 : memref<640x128xf32, #tpu.memory_space<vmem_shared>>) target(%dma_start3A_23 : memref<640x128xf32, #tpu.memory_space<hbm>>) target_semaphore(%run_scoped3A : memref<!tpu.dma_semaphore, #tpu.memory_space<semaphore_mem>>)
      %dma_wait3A = arith.constant 0 : i32
      %dma_wait3A_26 = arith.constant 0 : i32
      %dma_wait3A_27 = tpu.memref_slice %arg6[%arg0, %dma_wait3A, %dma_wait3A_26] : memref<2x10240x128xf32, #tpu.memory_space<hbm>> -> memref<1x10240x128xf32, #tpu.memory_space<hbm>>
      %dma_wait3A_28 = tpu.memref_squeeze %dma_wait3A_27 : memref<1x10240x128xf32, #tpu.memory_space<hbm>> -> memref<10240x128xf32, #tpu.memory_space<hbm>>
      %dma_wait3A_29 = arith.constant 0 : i32
      %dma_wait3A_30 = tpu.memref_slice %dma_wait3A_28[%mul3A_18, %dma_wait3A_29] : memref<10240x128xf32, #tpu.memory_space<hbm>> -> memref<640x128xf32, #tpu.memory_space<hbm>>
      %dma_wait3A_31 = arith.constant 0 : i32
      %dma_wait3A_32 = tpu.memref_slice %arg21[%mul3A_16, %dma_wait3A_31] : memref<10240x128xf32, #tpu.memory_space<vmem_shared>> -> memref<640x128xf32, #tpu.memory_space<vmem_shared>>
      tpu.wait_dma2 semaphore(%run_scoped3A : memref<!tpu.dma_semaphore, #tpu.memory_space<semaphore_mem>>) src(%dma_wait3A_32 : memref<640x128xf32, #tpu.memory_space<vmem_shared>>) dst(%dma_wait3A_30 : memref<640x128xf32, #tpu.memory_space<hbm>>)
      tpu.yield
    }) : () -> ()
    return
  }
}

#map = affine_map<(d0, d1) -> (0)>
#map1 = affine_map<(d0, d1) -> (0, 0)>
#map2 = affine_map<(d0, d1) -> (0, 0, 0)>
module attributes {stable_mosaic.version = 14 : i64} {
  func.func @_deg_kernel(%arg0: i32, %arg1: i32, %arg2: memref<327936xi32, #tpu.memory_space<hbm>>, %arg3: memref<10240x128xf32, #tpu.memory_space<hbm>>, %arg4: memref<128x128xf32, #tpu.memory_space<hbm>>, %arg5: memref<2x10240x128xf32, #tpu.memory_space<hbm>>, %arg6: memref<128xi32, #tpu.memory_space<vmem>>, %arg7: memref<128x128xf32, #tpu.memory_space<vmem>>, %arg8: memref<10240x128xf32, #tpu.memory_space<vmem_shared>>) attributes {dimension_semantics = [#tpu.dimension_semantics<core_parallel>, #tpu.dimension_semantics<subcore_parallel>], iteration_bounds = array<i64: 2, 16>, scalar_prefetch = 0 : i64, scratch_operands = 3 : i64, tpu.core_type = #tpu.core_type<sc_vector_subcore>, window_params = [{transform_indices = #map}, {transform_indices = #map1}, {transform_indices = #map1}, {transform_indices = #map2}]} {
    %mul3A = arith.constant 640 : i32
    %mul3A_0 = arith.muli %arg1, %mul3A : i32
    %mul3A_1 = arith.constant 640 : i32
    %mul3A_2 = arith.muli %arg1, %mul3A_1 : i32
    "tpu.region"() ({
      %run_scoped3A = tpu.sem_alloc : memref<!tpu.dma_semaphore, #tpu.memory_space<semaphore_mem>>
      %dma_start3A = arith.constant 0 : i32
      %dma_start3A_19 = tpu.memref_slice %arg8[%mul3A_2, %dma_start3A] : memref<10240x128xf32, #tpu.memory_space<vmem_shared>> -> memref<640x128xf32, #tpu.memory_space<vmem_shared>>
      %dma_start3A_20 = arith.constant 0 : i32
      %dma_start3A_21 = tpu.memref_slice %arg3[%mul3A_0, %dma_start3A_20] : memref<10240x128xf32, #tpu.memory_space<hbm>> -> memref<640x128xf32, #tpu.memory_space<hbm>>
      tpu.enqueue_dma source(%dma_start3A_21 : memref<640x128xf32, #tpu.memory_space<hbm>>) target(%dma_start3A_19 : memref<640x128xf32, #tpu.memory_space<vmem_shared>>) target_semaphore(%run_scoped3A : memref<!tpu.dma_semaphore, #tpu.memory_space<semaphore_mem>>)
      %dma_wait3A = arith.constant 0 : i32
      %dma_wait3A_22 = tpu.memref_slice %arg8[%mul3A_2, %dma_wait3A] : memref<10240x128xf32, #tpu.memory_space<vmem_shared>> -> memref<640x128xf32, #tpu.memory_space<vmem_shared>>
      %dma_wait3A_23 = arith.constant 0 : i32
      %dma_wait3A_24 = tpu.memref_slice %arg3[%mul3A_0, %dma_wait3A_23] : memref<10240x128xf32, #tpu.memory_space<hbm>> -> memref<640x128xf32, #tpu.memory_space<hbm>>
      tpu.wait_dma2 semaphore(%run_scoped3A : memref<!tpu.dma_semaphore, #tpu.memory_space<semaphore_mem>>) src(%dma_wait3A_24 : memref<640x128xf32, #tpu.memory_space<hbm>>) dst(%dma_wait3A_22 : memref<640x128xf32, #tpu.memory_space<vmem_shared>>)
      tpu.yield
    }) : () -> ()
    "tpu.region"() ({
      %run_scoped3A = tpu.sem_alloc : memref<!tpu.dma_semaphore, #tpu.memory_space<semaphore_mem>>
      tpu.enqueue_dma source(%arg4 : memref<128x128xf32, #tpu.memory_space<hbm>>) target(%arg7 : memref<128x128xf32, #tpu.memory_space<vmem>>) target_semaphore(%run_scoped3A : memref<!tpu.dma_semaphore, #tpu.memory_space<semaphore_mem>>)
      tpu.wait_dma2 semaphore(%run_scoped3A : memref<!tpu.dma_semaphore, #tpu.memory_space<semaphore_mem>>) src(%arg4 : memref<128x128xf32, #tpu.memory_space<hbm>>) dst(%arg7 : memref<128x128xf32, #tpu.memory_space<vmem>>)
      tpu.yield
    }) : () -> ()
    %barrier3A = arith.constant 0 : index
    tpu.barrier barrier_id(%barrier3A)
    %mul3A_3 = arith.constant 16 : i32
    %mul3A_4 = arith.muli %arg0, %mul3A_3 : i32
    %add3A = arith.addi %mul3A_4, %arg1 : i32
    %mul3A_5 = arith.constant 80 : i32
    %mul3A_6 = arith.muli %add3A, %mul3A_5 : i32
    %mul3A_7 = arith.constant 128 : i32
    %mul3A_8 = arith.muli %mul3A_6, %mul3A_7 : i32
    %scan3A = arith.constant 0 : i32
    %scan3A_9 = arith.constant 0 : i32
    %scan3A_10 = arith.constant 80 : i32
    %scan3A_11 = arith.addi %scan3A_9, %scan3A_10 : i32
    %scan3A_12 = arith.constant 1 : i32
    scf.for %scan3A_19 = %scan3A_9 to %scan3A_11 step %scan3A_12  : i32 {
      %mul3A_20 = arith.constant 128 : i32
      %mul3A_21 = arith.muli %scan3A_19, %mul3A_20 : i32
      %add3A_22 = arith.addi %mul3A_8, %mul3A_21 : i32
      "tpu.region"() ({
        %run_scoped3A = tpu.sem_alloc : memref<!tpu.dma_semaphore, #tpu.memory_space<semaphore_mem>>
        %dma_start3A = tpu.memref_slice %arg2[%add3A_22] : memref<327936xi32, #tpu.memory_space<hbm>> -> memref<128xi32, #tpu.memory_space<hbm>>
        %dma_start3A_23 = tpu.memref_slice %arg2[%add3A_22] : memref<327936xi32, #tpu.memory_space<hbm>> -> memref<128xi32, #tpu.memory_space<hbm>>
        tpu.enqueue_dma source(%dma_start3A_23 : memref<128xi32, #tpu.memory_space<hbm>>) target(%arg6 : memref<128xi32, #tpu.memory_space<vmem>>) target_semaphore(%run_scoped3A : memref<!tpu.dma_semaphore, #tpu.memory_space<semaphore_mem>>)
        %dma_wait3A = tpu.memref_slice %arg2[%add3A_22] : memref<327936xi32, #tpu.memory_space<hbm>> -> memref<128xi32, #tpu.memory_space<hbm>>
        %dma_wait3A_24 = tpu.memref_slice %arg2[%add3A_22] : memref<327936xi32, #tpu.memory_space<hbm>> -> memref<128xi32, #tpu.memory_space<hbm>>
        tpu.wait_dma2 semaphore(%run_scoped3A : memref<!tpu.dma_semaphore, #tpu.memory_space<semaphore_mem>>) src(%dma_wait3A_24 : memref<128xi32, #tpu.memory_space<hbm>>) dst(%arg6 : memref<128xi32, #tpu.memory_space<vmem>>)
        tpu.yield
      }) : () -> ()
      "tpu.region"() ({
        %run_scoped3A = tpu.sem_alloc : memref<!tpu.dma_semaphore, #tpu.memory_space<semaphore_mem>>
        %dma_start3A = arith.constant 0 : i32
        %dma_start3A_23 = arith.constant 0 : i32
        %dma_start3A_24 = tpu.memref_slice %arg8[%dma_start3A, %dma_start3A_23] : memref<10240x128xf32, #tpu.memory_space<vmem_shared>> -> memref<10240x128xf32, #tpu.memory_space<vmem_shared>>
        tpu.enqueue_indirect_dma source(%arg7 : memref<128x128xf32, #tpu.memory_space<vmem>>) target(%dma_start3A_24 : memref<10240x128xf32, #tpu.memory_space<vmem_shared>>) offsets(%arg6 : memref<128xi32, #tpu.memory_space<vmem>>) semaphore(%run_scoped3A : memref<!tpu.dma_semaphore, #tpu.memory_space<semaphore_mem>>) {add = true}
        %dma_wait3A = arith.constant 0 : i32
        %dma_wait3A_25 = arith.constant 0 : i32
        %dma_wait3A_26 = tpu.memref_slice %arg8[%dma_wait3A, %dma_wait3A_25] : memref<10240x128xf32, #tpu.memory_space<vmem_shared>> -> memref<10240x128xf32, #tpu.memory_space<vmem_shared>>
        tpu.wait_indirect_dma semaphore(%run_scoped3A : memref<!tpu.dma_semaphore, #tpu.memory_space<semaphore_mem>>) src(%arg7 : memref<128x128xf32, #tpu.memory_space<vmem>>) dst(%dma_wait3A_26 : memref<10240x128xf32, #tpu.memory_space<vmem_shared>>)
        tpu.yield
      }) : () -> ()
    }
    %scan3A_13 = arith.constant 80 : i32
    %barrier3A_14 = arith.constant 0 : index
    tpu.barrier barrier_id(%barrier3A_14)
    %mul3A_15 = arith.constant 640 : i32
    %mul3A_16 = arith.muli %arg1, %mul3A_15 : i32
    %mul3A_17 = arith.constant 640 : i32
    %mul3A_18 = arith.muli %arg1, %mul3A_17 : i32
    "tpu.region"() ({
      %run_scoped3A = tpu.sem_alloc : memref<!tpu.dma_semaphore, #tpu.memory_space<semaphore_mem>>
      %dma_start3A = arith.constant 0 : i32
      %dma_start3A_19 = arith.constant 0 : i32
      %dma_start3A_20 = tpu.memref_slice %arg5[%arg0, %dma_start3A, %dma_start3A_19] : memref<2x10240x128xf32, #tpu.memory_space<hbm>> -> memref<1x10240x128xf32, #tpu.memory_space<hbm>>
      %dma_start3A_21 = tpu.memref_squeeze %dma_start3A_20 : memref<1x10240x128xf32, #tpu.memory_space<hbm>> -> memref<10240x128xf32, #tpu.memory_space<hbm>>
      %dma_start3A_22 = arith.constant 0 : i32
      %dma_start3A_23 = tpu.memref_slice %dma_start3A_21[%mul3A_18, %dma_start3A_22] : memref<10240x128xf32, #tpu.memory_space<hbm>> -> memref<640x128xf32, #tpu.memory_space<hbm>>
      %dma_start3A_24 = arith.constant 0 : i32
      %dma_start3A_25 = tpu.memref_slice %arg8[%mul3A_16, %dma_start3A_24] : memref<10240x128xf32, #tpu.memory_space<vmem_shared>> -> memref<640x128xf32, #tpu.memory_space<vmem_shared>>
      tpu.enqueue_dma source(%dma_start3A_25 : memref<640x128xf32, #tpu.memory_space<vmem_shared>>) target(%dma_start3A_23 : memref<640x128xf32, #tpu.memory_space<hbm>>) target_semaphore(%run_scoped3A : memref<!tpu.dma_semaphore, #tpu.memory_space<semaphore_mem>>)
      %dma_wait3A = arith.constant 0 : i32
      %dma_wait3A_26 = arith.constant 0 : i32
      %dma_wait3A_27 = tpu.memref_slice %arg5[%arg0, %dma_wait3A, %dma_wait3A_26] : memref<2x10240x128xf32, #tpu.memory_space<hbm>> -> memref<1x10240x128xf32, #tpu.memory_space<hbm>>
      %dma_wait3A_28 = tpu.memref_squeeze %dma_wait3A_27 : memref<1x10240x128xf32, #tpu.memory_space<hbm>> -> memref<10240x128xf32, #tpu.memory_space<hbm>>
      %dma_wait3A_29 = arith.constant 0 : i32
      %dma_wait3A_30 = tpu.memref_slice %dma_wait3A_28[%mul3A_18, %dma_wait3A_29] : memref<10240x128xf32, #tpu.memory_space<hbm>> -> memref<640x128xf32, #tpu.memory_space<hbm>>
      %dma_wait3A_31 = arith.constant 0 : i32
      %dma_wait3A_32 = tpu.memref_slice %arg8[%mul3A_16, %dma_wait3A_31] : memref<10240x128xf32, #tpu.memory_space<vmem_shared>> -> memref<640x128xf32, #tpu.memory_space<vmem_shared>>
      tpu.wait_dma2 semaphore(%run_scoped3A : memref<!tpu.dma_semaphore, #tpu.memory_space<semaphore_mem>>) src(%dma_wait3A_32 : memref<640x128xf32, #tpu.memory_space<vmem_shared>>) dst(%dma_wait3A_30 : memref<640x128xf32, #tpu.memory_space<hbm>>)
      tpu.yield
    }) : () -> ()
    return
  }
}

#map = affine_map<(d0, d1) -> (0, 0)>
#map1 = affine_map<(d0, d1) -> (0)>
#map2 = affine_map<(d0, d1) -> (0, 0, 0)>
module attributes {stable_mosaic.version = 14 : i64} {
  func.func @_scatter_kernel(%arg0: i32, %arg1: i32, %arg2: memref<10240x128xf32, #tpu.memory_space<hbm>>, %arg3: memref<327936xi32, #tpu.memory_space<hbm>>, %arg4: memref<327936xi32, #tpu.memory_space<hbm>>, %arg5: memref<10240x128xf32, #tpu.memory_space<hbm>>, %arg6: memref<2x10240x128xf32, #tpu.memory_space<hbm>>, %arg7: memref<128xi32, #tpu.memory_space<vmem>>, %arg8: memref<128xi32, #tpu.memory_space<vmem>>, %arg9: memref<128xi32, #tpu.memory_space<vmem>>, %arg10: memref<128xi32, #tpu.memory_space<vmem>>, %arg11: memref<128xi32, #tpu.memory_space<vmem>>, %arg12: memref<128xi32, #tpu.memory_space<vmem>>, %arg13: memref<128xi32, #tpu.memory_space<vmem>>, %arg14: memref<128xi32, #tpu.memory_space<vmem>>, %arg15: memref<128x128xf32, #tpu.memory_space<vmem>>, %arg16: memref<128x128xf32, #tpu.memory_space<vmem>>, %arg17: memref<!tpu.dma_semaphore, #tpu.memory_space<semaphore_mem>>, %arg18: memref<!tpu.dma_semaphore, #tpu.memory_space<semaphore_mem>>, %arg19: memref<!tpu.dma_semaphore, #tpu.memory_space<semaphore_mem>>, %arg20: memref<!tpu.dma_semaphore, #tpu.memory_space<semaphore_mem>>, %arg21: memref<10240x128xf32, #tpu.memory_space<vmem_shared>>) attributes {dimension_semantics = [#tpu.dimension_semantics<core_parallel>, #tpu.dimension_semantics<subcore_parallel>], iteration_bounds = array<i64: 2, 16>, scalar_prefetch = 0 : i64, scratch_operands = 15 : i64, tpu.core_type = #tpu.core_type<sc_vector_subcore>, window_params = [{transform_indices = #map}, {transform_indices = #map1}, {transform_indices = #map1}, {transform_indices = #map}, {transform_indices = #map2}]} {
    %mul3A = arith.constant 640 : i32
    %mul3A_0 = arith.muli %arg1, %mul3A : i32
    %mul3A_1 = arith.constant 640 : i32
    %mul3A_2 = arith.muli %arg1, %mul3A_1 : i32
    "tpu.region"() ({
      %run_scoped3A = tpu.sem_alloc : memref<!tpu.dma_semaphore, #tpu.memory_space<semaphore_mem>>
      %dma_start3A = arith.constant 0 : i32
      %dma_start3A_19 = tpu.memref_slice %arg21[%mul3A_2, %dma_start3A] : memref<10240x128xf32, #tpu.memory_space<vmem_shared>> -> memref<640x128xf32, #tpu.memory_space<vmem_shared>>
      %dma_start3A_20 = arith.constant 0 : i32
      %dma_start3A_21 = tpu.memref_slice %arg5[%mul3A_0, %dma_start3A_20] : memref<10240x128xf32, #tpu.memory_space<hbm>> -> memref<640x128xf32, #tpu.memory_space<hbm>>
      tpu.enqueue_dma source(%dma_start3A_21 : memref<640x128xf32, #tpu.memory_space<hbm>>) target(%dma_start3A_19 : memref<640x128xf32, #tpu.memory_space<vmem_shared>>) target_semaphore(%run_scoped3A : memref<!tpu.dma_semaphore, #tpu.memory_space<semaphore_mem>>)
      %dma_wait3A = arith.constant 0 : i32
      %dma_wait3A_22 = tpu.memref_slice %arg21[%mul3A_2, %dma_wait3A] : memref<10240x128xf32, #tpu.memory_space<vmem_shared>> -> memref<640x128xf32, #tpu.memory_space<vmem_shared>>
      %dma_wait3A_23 = arith.constant 0 : i32
      %dma_wait3A_24 = tpu.memref_slice %arg5[%mul3A_0, %dma_wait3A_23] : memref<10240x128xf32, #tpu.memory_space<hbm>> -> memref<640x128xf32, #tpu.memory_space<hbm>>
      tpu.wait_dma2 semaphore(%run_scoped3A : memref<!tpu.dma_semaphore, #tpu.memory_space<semaphore_mem>>) src(%dma_wait3A_24 : memref<640x128xf32, #tpu.memory_space<hbm>>) dst(%dma_wait3A_22 : memref<640x128xf32, #tpu.memory_space<vmem_shared>>)
      tpu.yield
    }) : () -> ()
    %barrier3A = arith.constant 0 : index
    tpu.barrier barrier_id(%barrier3A)
    %mul3A_3 = arith.constant 16 : i32
    %mul3A_4 = arith.muli %arg0, %mul3A_3 : i32
    %add3A = arith.addi %mul3A_4, %arg1 : i32
    %mul3A_5 = arith.constant 80 : i32
    %mul3A_6 = arith.muli %add3A, %mul3A_5 : i32
    %mul3A_7 = arith.constant 128 : i32
    %mul3A_8 = arith.muli %mul3A_6, %mul3A_7 : i32
    %scan3A = arith.constant 0 : i32
    %scan3A_9 = arith.constant 0 : i32
    %scan3A_10 = arith.constant 20 : i32
    %scan3A_11 = arith.addi %scan3A_9, %scan3A_10 : i32
    %scan3A_12 = arith.constant 1 : i32
    scf.for %scan3A_19 = %scan3A_9 to %scan3A_11 step %scan3A_12  : i32 {
      %mul3A_20 = arith.constant 4 : i32
      %mul3A_21 = arith.muli %mul3A_20, %scan3A_19 : i32
      %mul3A_22 = arith.constant 128 : i32
      %mul3A_23 = arith.muli %mul3A_21, %mul3A_22 : i32
      %add3A_24 = arith.addi %mul3A_8, %mul3A_23 : i32
      %add3A_25 = arith.constant 0 : i32
      %add3A_26 = arith.addi %add3A_24, %add3A_25 : i32
      "tpu.region"() ({
        %run_scoped3A = tpu.sem_alloc : memref<!tpu.dma_semaphore, #tpu.memory_space<semaphore_mem>>
        %dma_start3A_55 = tpu.memref_slice %arg3[%add3A_26] : memref<327936xi32, #tpu.memory_space<hbm>> -> memref<128xi32, #tpu.memory_space<hbm>>
        %dma_start3A_56 = tpu.memref_slice %arg3[%add3A_26] : memref<327936xi32, #tpu.memory_space<hbm>> -> memref<128xi32, #tpu.memory_space<hbm>>
        tpu.enqueue_dma source(%dma_start3A_56 : memref<128xi32, #tpu.memory_space<hbm>>) target(%arg7 : memref<128xi32, #tpu.memory_space<vmem>>) target_semaphore(%run_scoped3A : memref<!tpu.dma_semaphore, #tpu.memory_space<semaphore_mem>>)
        %dma_wait3A_57 = tpu.memref_slice %arg3[%add3A_26] : memref<327936xi32, #tpu.memory_space<hbm>> -> memref<128xi32, #tpu.memory_space<hbm>>
        %dma_wait3A_58 = tpu.memref_slice %arg3[%add3A_26] : memref<327936xi32, #tpu.memory_space<hbm>> -> memref<128xi32, #tpu.memory_space<hbm>>
        tpu.wait_dma2 semaphore(%run_scoped3A : memref<!tpu.dma_semaphore, #tpu.memory_space<semaphore_mem>>) src(%dma_wait3A_58 : memref<128xi32, #tpu.memory_space<hbm>>) dst(%arg7 : memref<128xi32, #tpu.memory_space<vmem>>)
        tpu.yield
      }) : () -> ()
      "tpu.region"() ({
        %run_scoped3A = tpu.sem_alloc : memref<!tpu.dma_semaphore, #tpu.memory_space<semaphore_mem>>
        %dma_start3A_55 = tpu.memref_slice %arg4[%add3A_26] : memref<327936xi32, #tpu.memory_space<hbm>> -> memref<128xi32, #tpu.memory_space<hbm>>
        %dma_start3A_56 = tpu.memref_slice %arg4[%add3A_26] : memref<327936xi32, #tpu.memory_space<hbm>> -> memref<128xi32, #tpu.memory_space<hbm>>
        tpu.enqueue_dma source(%dma_start3A_56 : memref<128xi32, #tpu.memory_space<hbm>>) target(%arg11 : memref<128xi32, #tpu.memory_space<vmem>>) target_semaphore(%run_scoped3A : memref<!tpu.dma_semaphore, #tpu.memory_space<semaphore_mem>>)
        %dma_wait3A_57 = tpu.memref_slice %arg4[%add3A_26] : memref<327936xi32, #tpu.memory_space<hbm>> -> memref<128xi32, #tpu.memory_space<hbm>>
        %dma_wait3A_58 = tpu.memref_slice %arg4[%add3A_26] : memref<327936xi32, #tpu.memory_space<hbm>> -> memref<128xi32, #tpu.memory_space<hbm>>
        tpu.wait_dma2 semaphore(%run_scoped3A : memref<!tpu.dma_semaphore, #tpu.memory_space<semaphore_mem>>) src(%dma_wait3A_58 : memref<128xi32, #tpu.memory_space<hbm>>) dst(%arg11 : memref<128xi32, #tpu.memory_space<vmem>>)
        tpu.yield
      }) : () -> ()
      %add3A_27 = arith.constant 128 : i32
      %add3A_28 = arith.addi %add3A_24, %add3A_27 : i32
      "tpu.region"() ({
        %run_scoped3A = tpu.sem_alloc : memref<!tpu.dma_semaphore, #tpu.memory_space<semaphore_mem>>
        %dma_start3A_55 = tpu.memref_slice %arg3[%add3A_28] : memref<327936xi32, #tpu.memory_space<hbm>> -> memref<128xi32, #tpu.memory_space<hbm>>
        %dma_start3A_56 = tpu.memref_slice %arg3[%add3A_28] : memref<327936xi32, #tpu.memory_space<hbm>> -> memref<128xi32, #tpu.memory_space<hbm>>
        tpu.enqueue_dma source(%dma_start3A_56 : memref<128xi32, #tpu.memory_space<hbm>>) target(%arg8 : memref<128xi32, #tpu.memory_space<vmem>>) target_semaphore(%run_scoped3A : memref<!tpu.dma_semaphore, #tpu.memory_space<semaphore_mem>>)
        %dma_wait3A_57 = tpu.memref_slice %arg3[%add3A_28] : memref<327936xi32, #tpu.memory_space<hbm>> -> memref<128xi32, #tpu.memory_space<hbm>>
        %dma_wait3A_58 = tpu.memref_slice %arg3[%add3A_28] : memref<327936xi32, #tpu.memory_space<hbm>> -> memref<128xi32, #tpu.memory_space<hbm>>
        tpu.wait_dma2 semaphore(%run_scoped3A : memref<!tpu.dma_semaphore, #tpu.memory_space<semaphore_mem>>) src(%dma_wait3A_58 : memref<128xi32, #tpu.memory_space<hbm>>) dst(%arg8 : memref<128xi32, #tpu.memory_space<vmem>>)
        tpu.yield
      }) : () -> ()
      "tpu.region"() ({
        %run_scoped3A = tpu.sem_alloc : memref<!tpu.dma_semaphore, #tpu.memory_space<semaphore_mem>>
        %dma_start3A_55 = tpu.memref_slice %arg4[%add3A_28] : memref<327936xi32, #tpu.memory_space<hbm>> -> memref<128xi32, #tpu.memory_space<hbm>>
        %dma_start3A_56 = tpu.memref_slice %arg4[%add3A_28] : memref<327936xi32, #tpu.memory_space<hbm>> -> memref<128xi32, #tpu.memory_space<hbm>>
        tpu.enqueue_dma source(%dma_start3A_56 : memref<128xi32, #tpu.memory_space<hbm>>) target(%arg12 : memref<128xi32, #tpu.memory_space<vmem>>) target_semaphore(%run_scoped3A : memref<!tpu.dma_semaphore, #tpu.memory_space<semaphore_mem>>)
        %dma_wait3A_57 = tpu.memref_slice %arg4[%add3A_28] : memref<327936xi32, #tpu.memory_space<hbm>> -> memref<128xi32, #tpu.memory_space<hbm>>
        %dma_wait3A_58 = tpu.memref_slice %arg4[%add3A_28] : memref<327936xi32, #tpu.memory_space<hbm>> -> memref<128xi32, #tpu.memory_space<hbm>>
        tpu.wait_dma2 semaphore(%run_scoped3A : memref<!tpu.dma_semaphore, #tpu.memory_space<semaphore_mem>>) src(%dma_wait3A_58 : memref<128xi32, #tpu.memory_space<hbm>>) dst(%arg12 : memref<128xi32, #tpu.memory_space<vmem>>)
        tpu.yield
      }) : () -> ()
      %add3A_29 = arith.constant 256 : i32
      %add3A_30 = arith.addi %add3A_24, %add3A_29 : i32
      "tpu.region"() ({
        %run_scoped3A = tpu.sem_alloc : memref<!tpu.dma_semaphore, #tpu.memory_space<semaphore_mem>>
        %dma_start3A_55 = tpu.memref_slice %arg3[%add3A_30] : memref<327936xi32, #tpu.memory_space<hbm>> -> memref<128xi32, #tpu.memory_space<hbm>>
        %dma_start3A_56 = tpu.memref_slice %arg3[%add3A_30] : memref<327936xi32, #tpu.memory_space<hbm>> -> memref<128xi32, #tpu.memory_space<hbm>>
        tpu.enqueue_dma source(%dma_start3A_56 : memref<128xi32, #tpu.memory_space<hbm>>) target(%arg9 : memref<128xi32, #tpu.memory_space<vmem>>) target_semaphore(%run_scoped3A : memref<!tpu.dma_semaphore, #tpu.memory_space<semaphore_mem>>)
        %dma_wait3A_57 = tpu.memref_slice %arg3[%add3A_30] : memref<327936xi32, #tpu.memory_space<hbm>> -> memref<128xi32, #tpu.memory_space<hbm>>
        %dma_wait3A_58 = tpu.memref_slice %arg3[%add3A_30] : memref<327936xi32, #tpu.memory_space<hbm>> -> memref<128xi32, #tpu.memory_space<hbm>>
        tpu.wait_dma2 semaphore(%run_scoped3A : memref<!tpu.dma_semaphore, #tpu.memory_space<semaphore_mem>>) src(%dma_wait3A_58 : memref<128xi32, #tpu.memory_space<hbm>>) dst(%arg9 : memref<128xi32, #tpu.memory_space<vmem>>)
        tpu.yield
      }) : () -> ()
      "tpu.region"() ({
        %run_scoped3A = tpu.sem_alloc : memref<!tpu.dma_semaphore, #tpu.memory_space<semaphore_mem>>
        %dma_start3A_55 = tpu.memref_slice %arg4[%add3A_30] : memref<327936xi32, #tpu.memory_space<hbm>> -> memref<128xi32, #tpu.memory_space<hbm>>
        %dma_start3A_56 = tpu.memref_slice %arg4[%add3A_30] : memref<327936xi32, #tpu.memory_space<hbm>> -> memref<128xi32, #tpu.memory_space<hbm>>
        tpu.enqueue_dma source(%dma_start3A_56 : memref<128xi32, #tpu.memory_space<hbm>>) target(%arg13 : memref<128xi32, #tpu.memory_space<vmem>>) target_semaphore(%run_scoped3A : memref<!tpu.dma_semaphore, #tpu.memory_space<semaphore_mem>>)
        %dma_wait3A_57 = tpu.memref_slice %arg4[%add3A_30] : memref<327936xi32, #tpu.memory_space<hbm>> -> memref<128xi32, #tpu.memory_space<hbm>>
        %dma_wait3A_58 = tpu.memref_slice %arg4[%add3A_30] : memref<327936xi32, #tpu.memory_space<hbm>> -> memref<128xi32, #tpu.memory_space<hbm>>
        tpu.wait_dma2 semaphore(%run_scoped3A : memref<!tpu.dma_semaphore, #tpu.memory_space<semaphore_mem>>) src(%dma_wait3A_58 : memref<128xi32, #tpu.memory_space<hbm>>) dst(%arg13 : memref<128xi32, #tpu.memory_space<vmem>>)
        tpu.yield
      }) : () -> ()
      %add3A_31 = arith.constant 384 : i32
      %add3A_32 = arith.addi %add3A_24, %add3A_31 : i32
      "tpu.region"() ({
        %run_scoped3A = tpu.sem_alloc : memref<!tpu.dma_semaphore, #tpu.memory_space<semaphore_mem>>
        %dma_start3A_55 = tpu.memref_slice %arg3[%add3A_32] : memref<327936xi32, #tpu.memory_space<hbm>> -> memref<128xi32, #tpu.memory_space<hbm>>
        %dma_start3A_56 = tpu.memref_slice %arg3[%add3A_32] : memref<327936xi32, #tpu.memory_space<hbm>> -> memref<128xi32, #tpu.memory_space<hbm>>
        tpu.enqueue_dma source(%dma_start3A_56 : memref<128xi32, #tpu.memory_space<hbm>>) target(%arg10 : memref<128xi32, #tpu.memory_space<vmem>>) target_semaphore(%run_scoped3A : memref<!tpu.dma_semaphore, #tpu.memory_space<semaphore_mem>>)
        %dma_wait3A_57 = tpu.memref_slice %arg3[%add3A_32] : memref<327936xi32, #tpu.memory_space<hbm>> -> memref<128xi32, #tpu.memory_space<hbm>>
        %dma_wait3A_58 = tpu.memref_slice %arg3[%add3A_32] : memref<327936xi32, #tpu.memory_space<hbm>> -> memref<128xi32, #tpu.memory_space<hbm>>
        tpu.wait_dma2 semaphore(%run_scoped3A : memref<!tpu.dma_semaphore, #tpu.memory_space<semaphore_mem>>) src(%dma_wait3A_58 : memref<128xi32, #tpu.memory_space<hbm>>) dst(%arg10 : memref<128xi32, #tpu.memory_space<vmem>>)
        tpu.yield
      }) : () -> ()
      "tpu.region"() ({
        %run_scoped3A = tpu.sem_alloc : memref<!tpu.dma_semaphore, #tpu.memory_space<semaphore_mem>>
        %dma_start3A_55 = tpu.memref_slice %arg4[%add3A_32] : memref<327936xi32, #tpu.memory_space<hbm>> -> memref<128xi32, #tpu.memory_space<hbm>>
        %dma_start3A_56 = tpu.memref_slice %arg4[%add3A_32] : memref<327936xi32, #tpu.memory_space<hbm>> -> memref<128xi32, #tpu.memory_space<hbm>>
        tpu.enqueue_dma source(%dma_start3A_56 : memref<128xi32, #tpu.memory_space<hbm>>) target(%arg14 : memref<128xi32, #tpu.memory_space<vmem>>) target_semaphore(%run_scoped3A : memref<!tpu.dma_semaphore, #tpu.memory_space<semaphore_mem>>)
        %dma_wait3A_57 = tpu.memref_slice %arg4[%add3A_32] : memref<327936xi32, #tpu.memory_space<hbm>> -> memref<128xi32, #tpu.memory_space<hbm>>
        %dma_wait3A_58 = tpu.memref_slice %arg4[%add3A_32] : memref<327936xi32, #tpu.memory_space<hbm>> -> memref<128xi32, #tpu.memory_space<hbm>>
        tpu.wait_dma2 semaphore(%run_scoped3A : memref<!tpu.dma_semaphore, #tpu.memory_space<semaphore_mem>>) src(%dma_wait3A_58 : memref<128xi32, #tpu.memory_space<hbm>>) dst(%arg14 : memref<128xi32, #tpu.memory_space<vmem>>)
        tpu.yield
      }) : () -> ()
      %dma_start3A = arith.constant 0 : i32
      %dma_start3A_33 = arith.constant 0 : i32
      %dma_start3A_34 = tpu.memref_slice %arg2[%dma_start3A, %dma_start3A_33] : memref<10240x128xf32, #tpu.memory_space<hbm>> -> memref<10240x128xf32, #tpu.memory_space<hbm>>
      tpu.enqueue_indirect_dma source(%dma_start3A_34 : memref<10240x128xf32, #tpu.memory_space<hbm>>) target(%arg15 : memref<128x128xf32, #tpu.memory_space<vmem>>) offsets(%arg7 : memref<128xi32, #tpu.memory_space<vmem>>) semaphore(%arg17 : memref<!tpu.dma_semaphore, #tpu.memory_space<semaphore_mem>>)
      %dma_wait3A = arith.constant 0 : i32
      %dma_wait3A_35 = arith.constant 0 : i32
      %dma_wait3A_36 = tpu.memref_slice %arg2[%dma_wait3A, %dma_wait3A_35] : memref<10240x128xf32, #tpu.memory_space<hbm>> -> memref<10240x128xf32, #tpu.memory_space<hbm>>
      tpu.wait_indirect_dma semaphore(%arg17 : memref<!tpu.dma_semaphore, #tpu.memory_space<semaphore_mem>>) src(%dma_wait3A_36 : memref<10240x128xf32, #tpu.memory_space<hbm>>) dst(%arg15 : memref<128x128xf32, #tpu.memory_space<vmem>>)
      %dma_start3A_37 = arith.constant 0 : i32
      %dma_start3A_38 = arith.constant 0 : i32
      %dma_start3A_39 = tpu.memref_slice %arg2[%dma_start3A_37, %dma_start3A_38] : memref<10240x128xf32, #tpu.memory_space<hbm>> -> memref<10240x128xf32, #tpu.memory_space<hbm>>
      tpu.enqueue_indirect_dma source(%dma_start3A_39 : memref<10240x128xf32, #tpu.memory_space<hbm>>) target(%arg16 : memref<128x128xf32, #tpu.memory_space<vmem>>) offsets(%arg8 : memref<128xi32, #tpu.memory_space<vmem>>) semaphore(%arg17 : memref<!tpu.dma_semaphore, #tpu.memory_space<semaphore_mem>>)
      "tpu.region"() ({
        %run_scoped3A = tpu.sem_alloc : memref<!tpu.dma_semaphore, #tpu.memory_space<semaphore_mem>>
        %dma_start3A_55 = arith.constant 0 : i32
        %dma_start3A_56 = arith.constant 0 : i32
        %dma_start3A_57 = tpu.memref_slice %arg21[%dma_start3A_55, %dma_start3A_56] : memref<10240x128xf32, #tpu.memory_space<vmem_shared>> -> memref<10240x128xf32, #tpu.memory_space<vmem_shared>>
        tpu.enqueue_indirect_dma source(%arg15 : memref<128x128xf32, #tpu.memory_space<vmem>>) target(%dma_start3A_57 : memref<10240x128xf32, #tpu.memory_space<vmem_shared>>) offsets(%arg11 : memref<128xi32, #tpu.memory_space<vmem>>) semaphore(%run_scoped3A : memref<!tpu.dma_semaphore, #tpu.memory_space<semaphore_mem>>) {add = true}
        %dma_wait3A_58 = arith.constant 0 : i32
        %dma_wait3A_59 = arith.constant 0 : i32
        %dma_wait3A_60 = tpu.memref_slice %arg21[%dma_wait3A_58, %dma_wait3A_59] : memref<10240x128xf32, #tpu.memory_space<vmem_shared>> -> memref<10240x128xf32, #tpu.memory_space<vmem_shared>>
        tpu.wait_indirect_dma semaphore(%run_scoped3A : memref<!tpu.dma_semaphore, #tpu.memory_space<semaphore_mem>>) src(%arg15 : memref<128x128xf32, #tpu.memory_space<vmem>>) dst(%dma_wait3A_60 : memref<10240x128xf32, #tpu.memory_space<vmem_shared>>)
        tpu.yield
      }) : () -> ()
      %dma_wait3A_40 = arith.constant 0 : i32
      %dma_wait3A_41 = arith.constant 0 : i32
      %dma_wait3A_42 = tpu.memref_slice %arg2[%dma_wait3A_40, %dma_wait3A_41] : memref<10240x128xf32, #tpu.memory_space<hbm>> -> memref<10240x128xf32, #tpu.memory_space<hbm>>
      tpu.wait_indirect_dma semaphore(%arg17 : memref<!tpu.dma_semaphore, #tpu.memory_space<semaphore_mem>>) src(%dma_wait3A_42 : memref<10240x128xf32, #tpu.memory_space<hbm>>) dst(%arg16 : memref<128x128xf32, #tpu.memory_space<vmem>>)
      %dma_start3A_43 = arith.constant 0 : i32
      %dma_start3A_44 = arith.constant 0 : i32
      %dma_start3A_45 = tpu.memref_slice %arg2[%dma_start3A_43, %dma_start3A_44] : memref<10240x128xf32, #tpu.memory_space<hbm>> -> memref<10240x128xf32, #tpu.memory_space<hbm>>
      tpu.enqueue_indirect_dma source(%dma_start3A_45 : memref<10240x128xf32, #tpu.memory_space<hbm>>) target(%arg15 : memref<128x128xf32, #tpu.memory_space<vmem>>) offsets(%arg9 : memref<128xi32, #tpu.memory_space<vmem>>) semaphore(%arg17 : memref<!tpu.dma_semaphore, #tpu.memory_space<semaphore_mem>>)
      "tpu.region"() ({
        %run_scoped3A = tpu.sem_alloc : memref<!tpu.dma_semaphore, #tpu.memory_space<semaphore_mem>>
        %dma_start3A_55 = arith.constant 0 : i32
        %dma_start3A_56 = arith.constant 0 : i32
        %dma_start3A_57 = tpu.memref_slice %arg21[%dma_start3A_55, %dma_start3A_56] : memref<10240x128xf32, #tpu.memory_space<vmem_shared>> -> memref<10240x128xf32, #tpu.memory_space<vmem_shared>>
        tpu.enqueue_indirect_dma source(%arg16 : memref<128x128xf32, #tpu.memory_space<vmem>>) target(%dma_start3A_57 : memref<10240x128xf32, #tpu.memory_space<vmem_shared>>) offsets(%arg12 : memref<128xi32, #tpu.memory_space<vmem>>) semaphore(%run_scoped3A : memref<!tpu.dma_semaphore, #tpu.memory_space<semaphore_mem>>) {add = true}
        %dma_wait3A_58 = arith.constant 0 : i32
        %dma_wait3A_59 = arith.constant 0 : i32
        %dma_wait3A_60 = tpu.memref_slice %arg21[%dma_wait3A_58, %dma_wait3A_59] : memref<10240x128xf32, #tpu.memory_space<vmem_shared>> -> memref<10240x128xf32, #tpu.memory_space<vmem_shared>>
        tpu.wait_indirect_dma semaphore(%run_scoped3A : memref<!tpu.dma_semaphore, #tpu.memory_space<semaphore_mem>>) src(%arg16 : memref<128x128xf32, #tpu.memory_space<vmem>>) dst(%dma_wait3A_60 : memref<10240x128xf32, #tpu.memory_space<vmem_shared>>)
        tpu.yield
      }) : () -> ()
      %dma_wait3A_46 = arith.constant 0 : i32
      %dma_wait3A_47 = arith.constant 0 : i32
      %dma_wait3A_48 = tpu.memref_slice %arg2[%dma_wait3A_46, %dma_wait3A_47] : memref<10240x128xf32, #tpu.memory_space<hbm>> -> memref<10240x128xf32, #tpu.memory_space<hbm>>
      tpu.wait_indirect_dma semaphore(%arg17 : memref<!tpu.dma_semaphore, #tpu.memory_space<semaphore_mem>>) src(%dma_wait3A_48 : memref<10240x128xf32, #tpu.memory_space<hbm>>) dst(%arg15 : memref<128x128xf32, #tpu.memory_space<vmem>>)
      %dma_start3A_49 = arith.constant 0 : i32
      %dma_start3A_50 = arith.constant 0 : i32
      %dma_start3A_51 = tpu.memref_slice %arg2[%dma_start3A_49, %dma_start3A_50] : memref<10240x128xf32, #tpu.memory_space<hbm>> -> memref<10240x128xf32, #tpu.memory_space<hbm>>
      tpu.enqueue_indirect_dma source(%dma_start3A_51 : memref<10240x128xf32, #tpu.memory_space<hbm>>) target(%arg16 : memref<128x128xf32, #tpu.memory_space<vmem>>) offsets(%arg10 : memref<128xi32, #tpu.memory_space<vmem>>) semaphore(%arg17 : memref<!tpu.dma_semaphore, #tpu.memory_space<semaphore_mem>>)
      "tpu.region"() ({
        %run_scoped3A = tpu.sem_alloc : memref<!tpu.dma_semaphore, #tpu.memory_space<semaphore_mem>>
        %dma_start3A_55 = arith.constant 0 : i32
        %dma_start3A_56 = arith.constant 0 : i32
        %dma_start3A_57 = tpu.memref_slice %arg21[%dma_start3A_55, %dma_start3A_56] : memref<10240x128xf32, #tpu.memory_space<vmem_shared>> -> memref<10240x128xf32, #tpu.memory_space<vmem_shared>>
        tpu.enqueue_indirect_dma source(%arg15 : memref<128x128xf32, #tpu.memory_space<vmem>>) target(%dma_start3A_57 : memref<10240x128xf32, #tpu.memory_space<vmem_shared>>) offsets(%arg13 : memref<128xi32, #tpu.memory_space<vmem>>) semaphore(%run_scoped3A : memref<!tpu.dma_semaphore, #tpu.memory_space<semaphore_mem>>) {add = true}
        %dma_wait3A_58 = arith.constant 0 : i32
        %dma_wait3A_59 = arith.constant 0 : i32
        %dma_wait3A_60 = tpu.memref_slice %arg21[%dma_wait3A_58, %dma_wait3A_59] : memref<10240x128xf32, #tpu.memory_space<vmem_shared>> -> memref<10240x128xf32, #tpu.memory_space<vmem_shared>>
        tpu.wait_indirect_dma semaphore(%run_scoped3A : memref<!tpu.dma_semaphore, #tpu.memory_space<semaphore_mem>>) src(%arg15 : memref<128x128xf32, #tpu.memory_space<vmem>>) dst(%dma_wait3A_60 : memref<10240x128xf32, #tpu.memory_space<vmem_shared>>)
        tpu.yield
      }) : () -> ()
      %dma_wait3A_52 = arith.constant 0 : i32
      %dma_wait3A_53 = arith.constant 0 : i32
      %dma_wait3A_54 = tpu.memref_slice %arg2[%dma_wait3A_52, %dma_wait3A_53] : memref<10240x128xf32, #tpu.memory_space<hbm>> -> memref<10240x128xf32, #tpu.memory_space<hbm>>
      tpu.wait_indirect_dma semaphore(%arg17 : memref<!tpu.dma_semaphore, #tpu.memory_space<semaphore_mem>>) src(%dma_wait3A_54 : memref<10240x128xf32, #tpu.memory_space<hbm>>) dst(%arg16 : memref<128x128xf32, #tpu.memory_space<vmem>>)
      "tpu.region"() ({
        %run_scoped3A = tpu.sem_alloc : memref<!tpu.dma_semaphore, #tpu.memory_space<semaphore_mem>>
        %dma_start3A_55 = arith.constant 0 : i32
        %dma_start3A_56 = arith.constant 0 : i32
        %dma_start3A_57 = tpu.memref_slice %arg21[%dma_start3A_55, %dma_start3A_56] : memref<10240x128xf32, #tpu.memory_space<vmem_shared>> -> memref<10240x128xf32, #tpu.memory_space<vmem_shared>>
        tpu.enqueue_indirect_dma source(%arg16 : memref<128x128xf32, #tpu.memory_space<vmem>>) target(%dma_start3A_57 : memref<10240x128xf32, #tpu.memory_space<vmem_shared>>) offsets(%arg14 : memref<128xi32, #tpu.memory_space<vmem>>) semaphore(%run_scoped3A : memref<!tpu.dma_semaphore, #tpu.memory_space<semaphore_mem>>) {add = true}
        %dma_wait3A_58 = arith.constant 0 : i32
        %dma_wait3A_59 = arith.constant 0 : i32
        %dma_wait3A_60 = tpu.memref_slice %arg21[%dma_wait3A_58, %dma_wait3A_59] : memref<10240x128xf32, #tpu.memory_space<vmem_shared>> -> memref<10240x128xf32, #tpu.memory_space<vmem_shared>>
        tpu.wait_indirect_dma semaphore(%run_scoped3A : memref<!tpu.dma_semaphore, #tpu.memory_space<semaphore_mem>>) src(%arg16 : memref<128x128xf32, #tpu.memory_space<vmem>>) dst(%dma_wait3A_60 : memref<10240x128xf32, #tpu.memory_space<vmem_shared>>)
        tpu.yield
      }) : () -> ()
    }
    %scan3A_13 = arith.constant 20 : i32
    %barrier3A_14 = arith.constant 0 : index
    tpu.barrier barrier_id(%barrier3A_14)
    %mul3A_15 = arith.constant 640 : i32
    %mul3A_16 = arith.muli %arg1, %mul3A_15 : i32
    %mul3A_17 = arith.constant 640 : i32
    %mul3A_18 = arith.muli %arg1, %mul3A_17 : i32
    "tpu.region"() ({
      %run_scoped3A = tpu.sem_alloc : memref<!tpu.dma_semaphore, #tpu.memory_space<semaphore_mem>>
      %dma_start3A = arith.constant 0 : i32
      %dma_start3A_19 = arith.constant 0 : i32
      %dma_start3A_20 = tpu.memref_slice %arg6[%arg0, %dma_start3A, %dma_start3A_19] : memref<2x10240x128xf32, #tpu.memory_space<hbm>> -> memref<1x10240x128xf32, #tpu.memory_space<hbm>>
      %dma_start3A_21 = tpu.memref_squeeze %dma_start3A_20 : memref<1x10240x128xf32, #tpu.memory_space<hbm>> -> memref<10240x128xf32, #tpu.memory_space<hbm>>
      %dma_start3A_22 = arith.constant 0 : i32
      %dma_start3A_23 = tpu.memref_slice %dma_start3A_21[%mul3A_18, %dma_start3A_22] : memref<10240x128xf32, #tpu.memory_space<hbm>> -> memref<640x128xf32, #tpu.memory_space<hbm>>
      %dma_start3A_24 = arith.constant 0 : i32
      %dma_start3A_25 = tpu.memref_slice %arg21[%mul3A_16, %dma_start3A_24] : memref<10240x128xf32, #tpu.memory_space<vmem_shared>> -> memref<640x128xf32, #tpu.memory_space<vmem_shared>>
      tpu.enqueue_dma source(%dma_start3A_25 : memref<640x128xf32, #tpu.memory_space<vmem_shared>>) target(%dma_start3A_23 : memref<640x128xf32, #tpu.memory_space<hbm>>) target_semaphore(%run_scoped3A : memref<!tpu.dma_semaphore, #tpu.memory_space<semaphore_mem>>)
      %dma_wait3A = arith.constant 0 : i32
      %dma_wait3A_26 = arith.constant 0 : i32
      %dma_wait3A_27 = tpu.memref_slice %arg6[%arg0, %dma_wait3A, %dma_wait3A_26] : memref<2x10240x128xf32, #tpu.memory_space<hbm>> -> memref<1x10240x128xf32, #tpu.memory_space<hbm>>
      %dma_wait3A_28 = tpu.memref_squeeze %dma_wait3A_27 : memref<1x10240x128xf32, #tpu.memory_space<hbm>> -> memref<10240x128xf32, #tpu.memory_space<hbm>>
      %dma_wait3A_29 = arith.constant 0 : i32
      %dma_wait3A_30 = tpu.memref_slice %dma_wait3A_28[%mul3A_18, %dma_wait3A_29] : memref<10240x128xf32, #tpu.memory_space<hbm>> -> memref<640x128xf32, #tpu.memory_space<hbm>>
      %dma_wait3A_31 = arith.constant 0 : i32
      %dma_wait3A_32 = tpu.memref_slice %arg21[%mul3A_16, %dma_wait3A_31] : memref<10240x128xf32, #tpu.memory_space<vmem_shared>> -> memref<640x128xf32, #tpu.memory_space<vmem_shared>>
      tpu.wait_dma2 semaphore(%run_scoped3A : memref<!tpu.dma_semaphore, #tpu.memory_space<semaphore_mem>>) src(%dma_wait3A_32 : memref<640x128xf32, #tpu.memory_space<vmem_shared>>) dst(%dma_wait3A_30 : memref<640x128xf32, #tpu.memory_space<hbm>>)
      tpu.yield
    }) : () -> ()
    return
  }
}

module attributes {stable_mosaic.version = 14 : i64} {
  func.func @_tc1_body(%arg0: i32, %arg1: memref<2x1024x1xf32, #tpu.memory_space<vmem>>, %arg2: memref<1024x128xf32, #tpu.memory_space<vmem>>, %arg3: memref<128x128xf32, #tpu.memory_space<vmem>>, %arg4: memref<1024x128xf32, #tpu.memory_space<vmem>>, %arg5: memref<1024x1xf32, #tpu.memory_space<vmem>>) attributes {dimension_semantics = [#tpu.dimension_semantics<arbitrary>], iteration_bounds = array<i64: 10>, scalar_prefetch = 0 : i64, scratch_operands = 0 : i64, tpu.core_type = #tpu.core_type<tc>, window_params = [{transform_indices = @transform_0, window_bounds = array<i64: 2, 1024, 1>}, {transform_indices = @transform_1, window_bounds = array<i64: 1024, 128>}, {pipeline_mode = #tpu.pipeline_mode<synchronous>, transform_indices = @transform_2, window_bounds = array<i64: 128, 128>}, {transform_indices = @transform_3, window_bounds = array<i64: 1024, 128>}, {transform_indices = @transform_4, window_bounds = array<i64: 1024, 1>}]} {
    %get3A = arith.constant 0 : index
    %get3A_0 = arith.constant 0 : index
    %get3A_1 = arith.constant 0 : index
    %get3A_2 = vector.load %arg1[%get3A, %get3A_0, %get3A_1] : memref<2x1024x1xf32, #tpu.memory_space<vmem>>, vector<1x1024x1xf32>
    %get3A_3 = vector.shape_cast %get3A_2 : vector<1x1024x1xf32> to vector<1024x1xf32>
    %get3A_4 = arith.constant 1 : index
    %get3A_5 = arith.constant 0 : index
    %get3A_6 = arith.constant 0 : index
    %get3A_7 = vector.load %arg1[%get3A_4, %get3A_5, %get3A_6] : memref<2x1024x1xf32, #tpu.memory_space<vmem>>, vector<1x1024x1xf32>
    %get3A_8 = vector.shape_cast %get3A_7 : vector<1x1024x1xf32> to vector<1024x1xf32>
    %add3A = arith.addf %get3A_3, %get3A_8 : vector<1024x1xf32>
    %add3A_9 = arith.constant 1.000000e+00 : f32
    %add3A_10 = vector.broadcast %add3A_9 : f32 to vector<1024x1xf32>
    %add3A_11 = arith.addf %add3A, %add3A_10 : vector<1024x1xf32>
    %rsqrt3A = math.rsqrt %add3A_11 : vector<1024x1xf32>
    %get3A_12 = arith.constant 0 : index
    %get3A_13 = arith.constant 0 : index
    %get3A_14 = vector.load %arg2[%get3A_12, %get3A_13] : memref<1024x128xf32, #tpu.memory_space<vmem>>, vector<1024x128xf32>
    %get3A_15 = arith.constant 0 : index
    %get3A_16 = arith.constant 0 : index
    %get3A_17 = vector.load %arg3[%get3A_15, %get3A_16] : memref<128x128xf32, #tpu.memory_space<vmem>>, vector<128x128xf32>
    %dot_general3A = arith.constant dense<0.000000e+00> : vector<1024x128xf32>
    %dot_general3A_18 = tpu.matmul %get3A_14, %get3A_17, %dot_general3A {dimension_numbers = #tpu.dot_dimension_numbers<[1], [0], [0], [1], [0, 0, 1, 1], [], []>, transpose_lhs_hint = false} : vector<1024x128xf32>, vector<128x128xf32>, vector<1024x128xf32> -> vector<1024x128xf32>
    %mul3A = vector.broadcast %rsqrt3A : vector<1024x1xf32> to vector<1024x128xf32>
    %mul3A_19 = arith.mulf %dot_general3A_18, %mul3A : vector<1024x128xf32>
    %swap3A = arith.constant 0 : index
    %swap3A_20 = arith.constant 0 : index
    %swap3A_21 = vector.load %arg4[%swap3A, %swap3A_20] : memref<1024x128xf32, #tpu.memory_space<vmem>>, vector<1024x128xf32>
    tpu.vector_store %arg4[%swap3A, %swap3A_20], %mul3A_19 {strides = array<i32>} : memref<1024x128xf32, #tpu.memory_space<vmem>>, vector<1024x128xf32>,
    %swap3A_22 = arith.constant 0 : index
    %swap3A_23 = arith.constant 0 : index
    %swap3A_24 = vector.load %arg5[%swap3A_22, %swap3A_23] : memref<1024x1xf32, #tpu.memory_space<vmem>>, vector<1024x1xf32>
    tpu.vector_store %arg5[%swap3A_22, %swap3A_23], %rsqrt3A {strides = array<i32>} : memref<1024x1xf32, #tpu.memory_space<vmem>>, vector<1024x1xf32>,
    return
  }
  func.func @transform_0(%arg0: i32) -> (i32, i32, i32) {
    %c0_i32 = arith.constant 0 : i32
    %c0_i32_0 = arith.constant 0 : i32
    %c0_i32_1 = arith.constant 0 : i32
    return %c0_i32, %arg0, %c0_i32_0 : i32, i32, i32
  }
  func.func @transform_1(%arg0: i32) -> (i32, i32) {
    %c0_i32 = arith.constant 0 : i32
    %c0_i32_0 = arith.constant 0 : i32
    return %arg0, %c0_i32 : i32, i32
  }
  func.func @transform_2(%arg0: i32) -> (i32, i32) {
    %c0_i32 = arith.constant 0 : i32
    %c0_i32_0 = arith.constant 0 : i32
    %c0_i32_1 = arith.constant 0 : i32
    return %c0_i32, %c0_i32_0 : i32, i32
  }
  func.func @transform_3(%arg0: i32) -> (i32, i32) {
    %c0_i32 = arith.constant 0 : i32
    %c0_i32_0 = arith.constant 0 : i32
    return %arg0, %c0_i32 : i32, i32
  }
  func.func @transform_4(%arg0: i32) -> (i32, i32) {
    %c0_i32 = arith.constant 0 : i32
    %c0_i32_0 = arith.constant 0 : i32
    return %arg0, %c0_i32 : i32, i32
  }
}

module attributes {stable_mosaic.version = 14 : i64} {
  func.func @_tc2_body(%arg0: i32, %arg1: memref<2x1024x128xf32, #tpu.memory_space<vmem>>, %arg2: memref<1024x128xf32, #tpu.memory_space<vmem>>, %arg3: memref<1024x1xf32, #tpu.memory_space<vmem>>, %arg4: memref<1x128xf32, #tpu.memory_space<vmem>>, %arg5: memref<128x128xf32, #tpu.memory_space<vmem>>, %arg6: memref<1024x128xf32, #tpu.memory_space<vmem>>) attributes {dimension_semantics = [#tpu.dimension_semantics<arbitrary>], iteration_bounds = array<i64: 10>, scalar_prefetch = 0 : i64, scratch_operands = 0 : i64, tpu.core_type = #tpu.core_type<tc>, window_params = [{transform_indices = @transform_0, window_bounds = array<i64: 2, 1024, 128>}, {transform_indices = @transform_1, window_bounds = array<i64: 1024, 128>}, {transform_indices = @transform_2, window_bounds = array<i64: 1024, 1>}, {pipeline_mode = #tpu.pipeline_mode<synchronous>, transform_indices = @transform_3, window_bounds = array<i64: 1, 128>}, {pipeline_mode = #tpu.pipeline_mode<synchronous>, transform_indices = @transform_4, window_bounds = array<i64: 128, 128>}, {transform_indices = @transform_5, window_bounds = array<i64: 1024, 128>}]} {
    %get3A = arith.constant 0 : index
    %get3A_0 = arith.constant 0 : index
    %get3A_1 = vector.load %arg3[%get3A, %get3A_0] : memref<1024x1xf32, #tpu.memory_space<vmem>>, vector<1024x1xf32>
    %get3A_2 = arith.constant 0 : index
    %get3A_3 = arith.constant 0 : index
    %get3A_4 = arith.constant 0 : index
    %get3A_5 = vector.load %arg1[%get3A_2, %get3A_3, %get3A_4] : memref<2x1024x128xf32, #tpu.memory_space<vmem>>, vector<1x1024x128xf32>
    %get3A_6 = vector.shape_cast %get3A_5 : vector<1x1024x128xf32> to vector<1024x128xf32>
    %get3A_7 = arith.constant 1 : index
    %get3A_8 = arith.constant 0 : index
    %get3A_9 = arith.constant 0 : index
    %get3A_10 = vector.load %arg1[%get3A_7, %get3A_8, %get3A_9] : memref<2x1024x128xf32, #tpu.memory_space<vmem>>, vector<1x1024x128xf32>
    %get3A_11 = vector.shape_cast %get3A_10 : vector<1x1024x128xf32> to vector<1024x128xf32>
    %add3A = arith.addf %get3A_6, %get3A_11 : vector<1024x128xf32>
    %get3A_12 = arith.constant 0 : index
    %get3A_13 = arith.constant 0 : index
    %get3A_14 = vector.load %arg2[%get3A_12, %get3A_13] : memref<1024x128xf32, #tpu.memory_space<vmem>>, vector<1024x128xf32>
    %add3A_15 = arith.addf %add3A, %get3A_14 : vector<1024x128xf32>
    %mul3A = vector.broadcast %get3A_1 : vector<1024x1xf32> to vector<1024x128xf32>
    %mul3A_16 = arith.mulf %add3A_15, %mul3A : vector<1024x128xf32>
    %get3A_17 = arith.constant 0 : index
    %get3A_18 = arith.constant 0 : index
    %get3A_19 = vector.load %arg4[%get3A_17, %get3A_18] : memref<1x128xf32, #tpu.memory_space<vmem>>, vector<1x128xf32>
    %add3A_20 = vector.broadcast %get3A_19 : vector<1x128xf32> to vector<1024x128xf32>
    %add3A_21 = arith.addf %mul3A_16, %add3A_20 : vector<1024x128xf32>
    %max3A = arith.constant 0.000000e+00 : f32
    %max3A_22 = vector.broadcast %max3A : f32 to vector<1024x128xf32>
    %max3A_23 = arith.maximumf %add3A_21, %max3A_22 : vector<1024x128xf32>
    %get3A_24 = arith.constant 0 : index
    %get3A_25 = arith.constant 0 : index
    %get3A_26 = vector.load %arg5[%get3A_24, %get3A_25] : memref<128x128xf32, #tpu.memory_space<vmem>>, vector<128x128xf32>
    %dot_general3A = arith.constant dense<0.000000e+00> : vector<1024x128xf32>
    %dot_general3A_27 = tpu.matmul %max3A_23, %get3A_26, %dot_general3A {dimension_numbers = #tpu.dot_dimension_numbers<[1], [0], [0], [1], [0, 0, 1, 1], [], []>, transpose_lhs_hint = false} : vector<1024x128xf32>, vector<128x128xf32>, vector<1024x128xf32> -> vector<1024x128xf32>
    %mul3A_28 = vector.broadcast %get3A_1 : vector<1024x1xf32> to vector<1024x128xf32>
    %mul3A_29 = arith.mulf %dot_general3A_27, %mul3A_28 : vector<1024x128xf32>
    %swap3A = arith.constant 0 : index
    %swap3A_30 = arith.constant 0 : index
    %swap3A_31 = vector.load %arg6[%swap3A, %swap3A_30] : memref<1024x128xf32, #tpu.memory_space<vmem>>, vector<1024x128xf32>
    tpu.vector_store %arg6[%swap3A, %swap3A_30], %mul3A_29 {strides = array<i32>} : memref<1024x128xf32, #tpu.memory_space<vmem>>, vector<1024x128xf32>,
    return
  }
  func.func @transform_0(%arg0: i32) -> (i32, i32, i32) {
    %c0_i32 = arith.constant 0 : i32
    %c0_i32_0 = arith.constant 0 : i32
    %c0_i32_1 = arith.constant 0 : i32
    return %c0_i32, %arg0, %c0_i32_0 : i32, i32, i32
  }
  func.func @transform_1(%arg0: i32) -> (i32, i32) {
    %c0_i32 = arith.constant 0 : i32
    %c0_i32_0 = arith.constant 0 : i32
    return %arg0, %c0_i32 : i32, i32
  }
  func.func @transform_2(%arg0: i32) -> (i32, i32) {
    %c0_i32 = arith.constant 0 : i32
    %c0_i32_0 = arith.constant 0 : i32
    return %arg0, %c0_i32 : i32, i32
  }
  func.func @transform_3(%arg0: i32) -> (i32, i32) {
    %c0_i32 = arith.constant 0 : i32
    %c0_i32_0 = arith.constant 0 : i32
    %c0_i32_1 = arith.constant 0 : i32
    return %c0_i32, %c0_i32_0 : i32, i32
  }
  func.func @transform_4(%arg0: i32) -> (i32, i32) {
    %c0_i32 = arith.constant 0 : i32
    %c0_i32_0 = arith.constant 0 : i32
    %c0_i32_1 = arith.constant 0 : i32
    return %c0_i32, %c0_i32_0 : i32, i32
  }
  func.func @transform_5(%arg0: i32) -> (i32, i32) {
    %c0_i32 = arith.constant 0 : i32
    %c0_i32_0 = arith.constant 0 : i32
    return %arg0, %c0_i32 : i32, i32
  }
}

module attributes {stable_mosaic.version = 14 : i64} {
  func.func @_tc3_body(%arg0: i32, %arg1: memref<2x1024x128xf32, #tpu.memory_space<vmem>>, %arg2: memref<1024x128xf32, #tpu.memory_space<vmem>>, %arg3: memref<1024x1xf32, #tpu.memory_space<vmem>>, %arg4: memref<1x128xf32, #tpu.memory_space<vmem>>, %arg5: memref<1024x128xf32, #tpu.memory_space<vmem>>) attributes {dimension_semantics = [#tpu.dimension_semantics<arbitrary>], iteration_bounds = array<i64: 10>, scalar_prefetch = 0 : i64, scratch_operands = 0 : i64, tpu.core_type = #tpu.core_type<tc>, window_params = [{transform_indices = @transform_0, window_bounds = array<i64: 2, 1024, 128>}, {transform_indices = @transform_1, window_bounds = array<i64: 1024, 128>}, {transform_indices = @transform_2, window_bounds = array<i64: 1024, 1>}, {pipeline_mode = #tpu.pipeline_mode<synchronous>, transform_indices = @transform_3, window_bounds = array<i64: 1, 128>}, {transform_indices = @transform_4, window_bounds = array<i64: 1024, 128>}]} {
    %get3A = arith.constant 0 : index
    %get3A_0 = arith.constant 0 : index
    %get3A_1 = arith.constant 0 : index
    %get3A_2 = vector.load %arg1[%get3A, %get3A_0, %get3A_1] : memref<2x1024x128xf32, #tpu.memory_space<vmem>>, vector<1x1024x128xf32>
    %get3A_3 = vector.shape_cast %get3A_2 : vector<1x1024x128xf32> to vector<1024x128xf32>
    %get3A_4 = arith.constant 1 : index
    %get3A_5 = arith.constant 0 : index
    %get3A_6 = arith.constant 0 : index
    %get3A_7 = vector.load %arg1[%get3A_4, %get3A_5, %get3A_6] : memref<2x1024x128xf32, #tpu.memory_space<vmem>>, vector<1x1024x128xf32>
    %get3A_8 = vector.shape_cast %get3A_7 : vector<1x1024x128xf32> to vector<1024x128xf32>
    %add3A = arith.addf %get3A_3, %get3A_8 : vector<1024x128xf32>
    %get3A_9 = arith.constant 0 : index
    %get3A_10 = arith.constant 0 : index
    %get3A_11 = vector.load %arg2[%get3A_9, %get3A_10] : memref<1024x128xf32, #tpu.memory_space<vmem>>, vector<1024x128xf32>
    %add3A_12 = arith.addf %add3A, %get3A_11 : vector<1024x128xf32>
    %get3A_13 = arith.constant 0 : index
    %get3A_14 = arith.constant 0 : index
    %get3A_15 = vector.load %arg3[%get3A_13, %get3A_14] : memref<1024x1xf32, #tpu.memory_space<vmem>>, vector<1024x1xf32>
    %mul3A = vector.broadcast %get3A_15 : vector<1024x1xf32> to vector<1024x128xf32>
    %mul3A_16 = arith.mulf %add3A_12, %mul3A : vector<1024x128xf32>
    %get3A_17 = arith.constant 0 : index
    %get3A_18 = arith.constant 0 : index
    %get3A_19 = vector.load %arg4[%get3A_17, %get3A_18] : memref<1x128xf32, #tpu.memory_space<vmem>>, vector<1x128xf32>
    %add3A_20 = vector.broadcast %get3A_19 : vector<1x128xf32> to vector<1024x128xf32>
    %add3A_21 = arith.addf %mul3A_16, %add3A_20 : vector<1024x128xf32>
    %max3A = arith.constant 0.000000e+00 : f32
    %max3A_22 = vector.broadcast %max3A : f32 to vector<1024x128xf32>
    %max3A_23 = arith.maximumf %add3A_21, %max3A_22 : vector<1024x128xf32>
    %swap3A = arith.constant 0 : index
    %swap3A_24 = arith.constant 0 : index
    %swap3A_25 = vector.load %arg5[%swap3A, %swap3A_24] : memref<1024x128xf32, #tpu.memory_space<vmem>>, vector<1024x128xf32>
    tpu.vector_store %arg5[%swap3A, %swap3A_24], %max3A_23 {strides = array<i32>} : memref<1024x128xf32, #tpu.memory_space<vmem>>, vector<1024x128xf32>,
    return
  }
  func.func @transform_0(%arg0: i32) -> (i32, i32, i32) {
    %c0_i32 = arith.constant 0 : i32
    %c0_i32_0 = arith.constant 0 : i32
    %c0_i32_1 = arith.constant 0 : i32
    return %c0_i32, %arg0, %c0_i32_0 : i32, i32, i32
  }
  func.func @transform_1(%arg0: i32) -> (i32, i32) {
    %c0_i32 = arith.constant 0 : i32
    %c0_i32_0 = arith.constant 0 : i32
    return %arg0, %c0_i32 : i32, i32
  }
  func.func @transform_2(%arg0: i32) -> (i32, i32) {
    %c0_i32 = arith.constant 0 : i32
    %c0_i32_0 = arith.constant 0 : i32
    return %arg0, %c0_i32 : i32, i32
  }
  func.func @transform_3(%arg0: i32) -> (i32, i32) {
    %c0_i32 = arith.constant 0 : i32
    %c0_i32_0 = arith.constant 0 : i32
    %c0_i32_1 = arith.constant 0 : i32
    return %c0_i32, %c0_i32_0 : i32, i32
  }
  func.func @transform_4(%arg0: i32) -> (i32, i32) {
    %c0_i32 = arith.constant 0 : i32
    %c0_i32_0 = arith.constant 0 : i32
    return %arg0, %c0_i32 : i32, i32
  }
}

</mosaic_0001>

<sc_bundles>
// kernel: kernel.11.cloned.1.call-start
scs
__scs_entry_jumppad:
0x0: {  	(pc) =	sbr.rel $0x88, $3  }
0x1: {  	(tag) =	ssettag $0x0;
	lr =	simm.s32 $0x1  }
0x2: {  	[smem:$0x3F9B] =	sst lr;
	_ =	strace $0xD0000000  }
0x3: {  	_ = 	snop  }
0x4: {  	_ = 	snop  }
0x5: {  	_ = 	snop  }
0x6: {  	_ = 	snop  }
0x7: {  	_ = 	snop  }
__scs_overlays_trampoline_lowered:
0x8: {  	[smem:$0x3FAA] =	sst s0  }
0x9: {  	[smem:$0x3FAB] =	sst s1  }
0xa: {  	[smem:$0x3FAC] =	sst s2  }
0xb: {  	[smem:$0x3FAD] =	sst s3  }
0xc: {  	[smem:$0x3FAE] =	sst s4  }
0xd: {  	[smem:$0x3FAF] =	sst s5  }
0xe: {  	[smem:$0x3FB0] =	sst s6  }
0xf: {  	[smem:$0x3FB1] =	sst s7  }
0x10: {  	[smem:$0x3FB2] =	sst s8  }
0x11: {  	[smem:$0x3FB3] =	sst s9;
	s0 =	simm.s32 @!p0 $0x0  }
0x12: {  	s1 =	sld [smem:$0x3F99];
	s0 =	simm.s32 @p0 $0x1  }
0x13: {  	[smem:$0x3FB4] =	sst s0;
	s0 =	simm.s32 @!p1 $0x0  }
0x14: {  	s2 =	sld [smem:$0x3F98];
	s0 =	simm.s32 @p1 $0x1  }
0x15: {  	[smem:$0x3FB5] =	sst s0;
	s0 =	simm.s32 @!p2 $0x0  }
0x16: {  	s3 =	sld [smem:$0x3FDB];
	s0 =	simm.s32 @p2 $0x1  }
0x17: {  	s4 =	simm.s32 $0x1BF5;
	[smem:$0x3FB7] =	sst s0  }
0x18: {  	s0 =	sld [smem:$0x3F9A];
	_ =	swait.ge [sflag:s4], $0x0  }
0x19: {  	s7 =	sld [smem:$0x3F9B]  }
0x1a: {  	s8 =	sadd.s32 $0xFFFFE003, lr  }
0x1b: {  	s9 =	sadd.s32 $0xFFFFFEF7, lr;
	s5 =	simm.s32 $0xFFFFFFFF;
	p2 =	slt.u32 s8, $0xFFFFF086  }
0x1c: {  	p1 =	slt.u32 s9, $0xF7A;
	s5 =	simm.s32 @!p2 $0x0  }
0x1d: {  	s5 =	simm.s32 @p1 $0x1;
	p0 =	seq.s32 s7, s2  }
0x1e: {  	s7 =	smul.u32 @!p0 $0xF7A, s2;
	p2 =	seq.s32 @!p0 s5, $0x0  }
0x1f: {  	s9 =	smul.u32 $0xF7A, s1;
	s8 =	simm.s32 @!p0 $0x1BF5;
	p2 =	por !p2, p0  }
0x20: {  	[sflag:s8] =	ssyncset.s32 @!p0 $0xFFFFF086;
	s6 =	sadd.s32 @!p0 s3, s7;
	s7 =	simm.s32 @!p0 $0x108  }
0x21: {  	s3 =	sadd.s32 s3, s9;
	s6 =	sadd.s32 @!p0 $0x88, s6;
	s7 =	simm.s32 @p2 $0x1082  }
0x22: {  	[simem:s7], [sflag:s8] =	dma.local @!p0 [hbm:s6], $0xF7A  }
0x23: {  	s9 =	sor.u32 $0xD0000000, s2;
	s6 =	simm.s32 $0x108;
	_ =	swait.ge @!p0 [sflag:s8], $0x0  }
0x24: {  	s3 =	sadd.s32 $0x88, s3;
	s6 =	simm.s32 @!p1 $0x1082;
	[sflag:s4] =	ssyncset.s32 $0xFFFFF086  }
0x25: {  	[simem:s6], [sflag:s4] =	dma.local [hbm:s3], $0xF7A  }
0x26: {  	[smem:$0x3F9B] =	sst s1;
	(tag) =	ssettag s2;
	_ =	strace s9  }
0x27: {  	s1 =	sld [smem:$0x3FAB]  }
0x28: {  	s2 =	sld [smem:$0x3FAC]  }
0x29: {  	s4 =	sld [smem:$0x3FAE]  }
0x2a: {  	p0 =	seq.s32 s5, $0x0;
	s5 =	sld [smem:$0x3FAF]  }
0x2b: {  	s6 =	sld [smem:$0x3FB0]  }
0x2c: {  	s7 =	sld [smem:$0x3FB1]  }
0x2d: {  	s3 =	simm.s32 $0x108;
	s8 =	sld [smem:$0x3FB2]  }
0x2e: {  	s3 =	simm.s32 @!p0 $0x1082;
	s9 =	sld [smem:$0x3FB3]  }
0x2f: {  	lr =	sadd.s32 s0, s3;
	s0 =	sld [smem:$0x3FAA]  }
0x30: {  	s3 =	sld [smem:$0x3FAD]  }
0x31: {  	[smem:$0x3FB6] =	sst s10  }
0x32: {  	s10 =	sld [smem:$0x3FB4];
	_ =	sdelay $0x3  }
0x33: {  	p0 =	seq.s32 s10, $0x1;
	s10 =	sld [smem:$0x3FB6];
	_ =	sdelay $0x3  }
0x34: {  	[smem:$0x3FB6] =	sst s10  }
0x35: {  	s10 =	sld [smem:$0x3FB5];
	_ =	sdelay $0x3  }
0x36: {  	p1 =	seq.s32 s10, $0x1;
	s10 =	sld [smem:$0x3FB6];
	_ =	sdelay $0x3  }
0x37: {  	[smem:$0x3FB6] =	sst s10  }
0x38: {  	s10 =	sld [smem:$0x3FB7]  }
0x39: {  	_ = 	snop;
	(pc) =	sbr.ind lr, $3  }
0x3a: {  	_ = 	snop  }
0x3b: {  	_ = 	snop  }
0x3c: {  	p2 =	seq.s32 s10, $0x1;
	s10 =	sld [smem:$0x3FB6]  }
0x3d: {  	_ =	shalt  }
0x3e: {  	_ =	shalt  }
0x3f: {  	_ =	shalt  }
0x40: {  	_ =	shalt  }
0x41: {  	_ =	shalt  }
0x42: {  	_ =	shalt  }
0x43: {  	_ =	shalt  }
0x44: {  	_ =	shalt  }
0x45: {  	_ =	shalt  }
0x46: {  	_ =	shalt  }
0x47: {  	_ =	shalt  }
0x48: {  	_ =	shalt  }
0x49: {  	_ =	shalt  }
0x4a: {  	_ =	shalt  }
0x4b: {  	_ =	shalt  }
0x4c: {  	_ =	shalt  }
0x4d: {  	_ =	shalt  }
0x4e: {  	_ =	shalt  }
0x4f: {  	_ =	shalt  }
0x50: {  	_ =	shalt  }
0x51: {  	_ =	shalt  }
0x52: {  	_ =	shalt  }
0x53: {  	_ =	shalt  }
0x54: {  	_ =	shalt  }
0x55: {  	_ =	shalt  }
0x56: {  	_ =	shalt  }
0x57: {  	_ =	shalt  }
0x58: {  	_ =	shalt  }
0x59: {  	_ =	shalt  }
0x5a: {  	_ =	shalt  }
0x5b: {  	_ =	shalt  }
0x5c: {  	_ =	shalt  }
0x5d: {  	_ =	shalt  }
0x5e: {  	_ =	shalt  }
0x5f: {  	_ =	shalt  }
0x60: {  	_ =	shalt  }
0x61: {  	_ =	shalt  }
0x62: {  	_ =	shalt  }
0x63: {  	_ =	shalt  }
0x64: {  	_ =	shalt  }
0x65: {  	_ =	shalt  }
0x66: {  	_ =	shalt  }
0x67: {  	_ =	shalt  }
0x68: {  	_ =	shalt  }
0x69: {  	_ =	shalt  }
0x6a: {  	_ =	shalt  }
0x6b: {  	_ =	shalt  }
0x6c: {  	_ =	shalt  }
0x6d: {  	_ =	shalt  }
0x6e: {  	_ =	shalt  }
0x6f: {  	_ =	shalt  }
0x70: {  	_ =	shalt  }
0x71: {  	_ =	shalt  }
0x72: {  	_ =	shalt  }
0x73: {  	_ =	shalt  }
0x74: {  	_ =	shalt  }
0x75: {  	_ =	shalt  }
0x76: {  	_ =	shalt  }
0x77: {  	_ =	shalt  }
0x78: {  	_ =	shalt  }
0x79: {  	_ =	shalt  }
0x7a: {  	_ =	shalt  }
0x7b: {  	_ =	shalt  }
0x7c: {  	_ =	shalt  }
0x7d: {  	_ =	shalt  }
0x7e: {  	_ =	shalt  }
0x7f: {  	_ =	shalt  }
0x80: {  	_ =	shalt  }
0x81: {  	_ =	shalt  }
0x82: {  	_ =	shalt  }
0x83: {  	_ =	shalt  }
0x84: {  	_ =	shalt  }
0x85: {  	_ =	shalt  }
0x86: {  	_ =	shalt  }
0x87: {  	_ =	shalt  }
.Lfunc_end0:
.L_simem_size_0:
called_computation.1_lowered:
.L_overlay_start_0:
0x88: {  	s2 =	sld [smem:$0x3FD9]  }
0x89: {  	s3 =	sld [smem:$0x3FFE];
	_ =	sdelay $0x1  }
0x8a: {  	s1 =	srdreg.scid  }
0x8b: {  	s0 =	sand.u32 $0x1, s1  }
0x8c: {  	s17 =	sshll.u32 s0, $0xA;
	s2 =	sadd.s32 s3, s2  }
0x8d: {  	s2 =	sadd.s32 s2, s17  }
0x8e: {  	[smem:$0x3FC2] =	sst s2  }
0x8f: {  	_ = 	snop  }
0x90: {  	s2 =	sld [smem:$0x3FD0];
	(tm) =	ssettm $0x1  }
0x91: {  	s18 =	sld [smem:$0x3FFB];
	_ =	sdelay $0x3  }
0x92: {  	_ =	strace s18  }
0x93: {  	s3 =	sld [smem:$0x3FFC];
	_ =	sdelay $0x3  }
0x94: {  	_ =	strace s3  }
0x95: {  	s3 =	sld [smem:$0x3FFD];
	_ =	sdelay $0x3  }
0x96: {  	_ =	strace s3  }
0x97: {  	_ =	strace $0x8FFFFFFF  }
0x98: {  	s19 =	sld [smem:$0x3FDB];
	_ =	sdelay $0x1  }
0x99: {  	s4 =	simm.s32 $_scs_section_size  }
0x9a: {  	s5 =	simm.s32 $_size__tile_overlayer_lowered;
	s6 =	simm.s32 $_tile_overlayer_lowered  }
0x9b: {  	s22 =	simm.s32 $0x1BFF;
	s21 =	sshll.u32 s6, $0x1;
	s3 =	sadd.s32 s4, s19  }
0x9c: {  	s7 =	simm.s32 $0x0;
	s20 =	sshll.u32 s5, $0x1;
	s5 =	sadd.s32 s21, s3  }
0x9d: {  	[timem:s7], [sflag:s22] =	dma.local [hbm:s5], s20  }
0x9e: {  	_ =	swait.ge [sflag:s22], s20  }
0x9f: {  	s4 =	ssub.s32 $0x0, s20;
	[sflag:s22] =	ssyncset.done $0x0  }
0xa0: {  	[sflag:s22] =	ssyncadd.s32 s4;
	_ =	sdelay $0x1  }
0xa1: {  	s23 =	simm.s32 $0x1B8B  }
0xa2: {  	_ =	swait.ge [sflag:s23], $0x1  }
0xa3: {  	[sflag:s23] =	ssyncset.done $0x0  }
0xa4: {  	s25 =	simm.s32 $0x1B8E;
	s24 =	sld [smem:$0x3FFE];
	[sflag:s23] =	ssyncadd.s32 $0xFFFFFFFF  }
0xa5: {  	s26 =	simm.s32 $execute0_lowered;
	[smem:$0x3FD2] =	sst s25  }
0xa6: {  	s5 =	sshll.u32 s26, $0x1;
	_ =	strace $0x80000049;
	[dreg:$0x1] =	wrdreg $0xFFFFFFFF  }
0xa7: {  	s28 =	simm.s32 $_size_execute0_lowered;
	s3 =	sadd.s32 s3, s5;
	[dreg:$0x0] =	wrdreg $0x0  }
0xa8: {  	s5 =	sshll.u32 s28, $0x1;
	[dreg:$0x2] =	wrdreg s3  }
0xa9: {  	[dreg:$0x3] =	wrdreg s5  }
0xaa: {  	[dreg:$0x4] =	wrdreg $0xC0  }
0xab: {  	_ =	task [dreg:s7], $0x5FFFF  }
0xac: {  	[dreg:$0x1] =	wrdreg $0xFFFFFFFF  }
0xad: {  	[dreg:$0x0] =	wrdreg $0x60  }
0xae: {  	[dreg:$0x2] =	wrdreg s24  }
0xaf: {  	[dreg:$0x3] =	wrdreg s2  }
0xb0: {  	[dreg:$0x4] =	wrdreg $0x84000  }
0xb1: {  	[dreg:$0x5] =	wrdreg $0x9  }
0xb2: {  	_ =	task.clear_ibuf [dreg:s7], $0x6FFFF;
	_ =	strace $0x90000049  }
0xb3: {  	s29 =	simm.s32 $0x9;
	_ =	strace $0x8000004B  }
0xb4: {  	_ =	swait.ge [sflag:s29], $0x1  }
0xb5: {  	[sflag:s29] =	ssyncadd.s32 $0xFFFFFFFF  }
0xb6: {  	_ =	strace $0x9000004B  }
0xb7: {  	_ =	sfence  }
0xb8: {  	s30 =	sld [smem:$0x0];
	_ =	sdelay $0x2  }
0xb9: {  	s31 =	sshll.u32 s1, $0xD;
	s1 =	sshrl.u32 s1, $0x2  }
0xba: {  	s3 =	sand.u32 $0x4000, s31;
	s1 =	sadd.s32 s1, s30  }
0xbb: {  	s0 =	sor.u32 s3, s0;
	s1 =	sshll.u32 s1, $0x11  }
0xbc: {  	s0 =	sor.u32 s1, s0  }
0xbd: {  	s0 =	sadd.s32 $0x8F2B, s0  }
0xbe: {  	[sflag:s0] =	ssyncadd.remote.s32 $0x1  }
0xbf: {  	_ =	sfence.sel $0xFFFF  }
0xc0: {  	[dreg:$0x0] =	wrdreg $0xFFFFFFFF;
	(pc) =	sbr.abs _section_cstart, $3  }
0xc1: {  	[dreg:$0x1] =	wrdreg $0xFFFFFFFF  }
0xc2: {  	_ =	task.clear_ibuf [dreg:s7], $0x2FFFF;
	_ =	strace $0x9FFFFFFF  }
0xc3: {  	(tm) =	ssettm $0x7FFFFFFF  }
tec
execute0_lowered:
.L_overlay_start_1:
0x0: {  	(tag) =	ssettag $0x1  }
0x1: {  	s5 =	rddreg [dreg:$0x0]  }
0x2: {  	s1 =	srdreg.scid;
	s9 =	rddreg [dreg:$0x1]  }
0x3: {  	s0 =	stileid.u32;
	s2 =	rddreg [dreg:$0x2];
	s3 =	simm.s32 $0x0  }
0x4: {  	s14 =	simm.s32 $0x280;
	s15 =	simm.s32 $0x100;
	s16 =	simm.s32 $0x300  }
0x5: {  	s17 =	simm.s32 $0x180;
	s18 =	simm.s32 $0x380;
	s19 =	simm.s32 $0x400  }
0x6: {  	s20 =	simm.s32 $0x1;
	s6 =	sand.u32 $0x1, s1;
	s1 =	rddreg [dreg:$0x3]  }
0x7: {  	s21 =	simm.s32 $0x4400;
	s22 =	smul.u32 $0x2800, s0;
	[smem:$0x7FF] =	sst s3  }
0x8: {  	s4 =	sadd.s32 $0x29E00, s5;
	s11 =	smul.u32 $0x50000, s0;
	s31 =	sshll.u32 s0, $0x6  }
0x9: {  	s7 =	smul.u32 $0x28000, s6;
	_ =	strace $0x8000004A;
	s6 =	ssub.s32 $0x2, s6  }
0xa: {  	s12 =	sadd.s32 s22, s5;
	s29 =	sshrl.u32 s6, $0x1;
	s30 =	sshrl.u32 s11, $0x2  }
0xb: {  	s8 =	sadd.s32 s22, s7;
	s7 =	sadd.s32 s7, s5;
	s13 =	ssub.s32 s6, s29  }
0xc: {  	s11 =	sadd.s32 s30, s2;
	s6 =	sor.u32 $0x1C02, s31;
	s10 =	sshrl.u32 s8, $0x3  }
0xd: {  	s23 =	sadd.s32 $0x84800, s7;
	s7 =	smax.u32 s13, $0x1;
	s13 =	simm.s32 $0x80  }
0xe: {  	s8 =	sadd.s32 s10, s5;
	s5 =	sadd.s32 $0x1E00, s12;
	s9 =	sadd.s32 s10, s9  }
0xf: {  	s10 =	sshrl.u32 s11, $0x3;
	s11 =	simm.s32 $0x2;
	s12 =	simm.s32 $0x200  }
0x10: {  	s22 =	sadd.s32 s22, s23;
	s23 =	simm.s32 $0x0;
	s8 =	sadd.s32 $0x7A600, s8  }
.LBB2_1:
0x11: {  	[spmem:s10], [sflag:s6] =	dma.local [hbm:s5], $0x2800  }
0x12: {  	_ =	swait.ge [sflag:s11], $0x2800  }
0x13: {  	[sflag:s11] =	ssyncset.done $0x0  }
0x14: {  	[sflag:s11] =	ssyncadd.s32 $0xFFFFD800  }
0x15: {  	s24 =	sadd.s32 $0x0, s8;
	[bflag:$0x0] =	sbarrier.arrive $0xFFFF  }
0x16: {  	[tilespmem:s3], [sflag:$0x2] =	stream.linear.gather [hbm4b:s24+s3], $0x80, $0x38;
	[tilespmem:$0x1C400] =	vst v63  }
0x17: {  	_ =	swait.ge [sflag:s11], $0x80  }
0x18: {  	[sflag:s11] =	ssyncset.done $0x0  }
0x19: {  	s25 =	sadd.s32 $0x0, s9;
	[sflag:s11] =	ssyncadd.s32 $0xFFFFFF80  }
0x1a: {  	[tilespmem:s12], [sflag:$0x2] =	stream.linear.gather [hbm4b:s25+s3], $0x80, $0x38;
	[tilespmem:$0x1C400] =	vst v63  }
0x1b: {  	_ =	swait.ge [sflag:s11], $0x80  }
0x1c: {  	[sflag:s11] =	ssyncset.done $0x0  }
0x1d: {  	s26 =	sadd.s32 $0x10, s24;
	[sflag:s11] =	ssyncadd.s32 $0xFFFFFF80  }
0x1e: {  	[tilespmem:s13], [sflag:$0x2] =	stream.linear.gather [hbm4b:s26+s3], $0x80, $0x38;
	[tilespmem:$0x1C400] =	vst v63  }
0x1f: {  	_ =	swait.ge [sflag:s11], $0x80  }
0x20: {  	[sflag:s11] =	ssyncset.done $0x0  }
0x21: {  	s28 =	sadd.s32 $0x10, s25;
	[sflag:s11] =	ssyncadd.s32 $0xFFFFFF80  }
0x22: {  	[tilespmem:s14], [sflag:$0x2] =	stream.linear.gather [hbm4b:s28+s3], $0x80, $0x38;
	[tilespmem:$0x1C400] =	vst v63  }
0x23: {  	_ =	swait.ge [sflag:s11], $0x80  }
0x24: {  	[sflag:s11] =	ssyncset.done $0x0  }
0x25: {  	s29 =	sadd.s32 $0x20, s24;
	[sflag:s11] =	ssyncadd.s32 $0xFFFFFF80  }
0x26: {  	[tilespmem:s15], [sflag:$0x2] =	stream.linear.gather [hbm4b:s29+s3], $0x80, $0x38;
	[tilespmem:$0x1C400] =	vst v63  }
0x27: {  	_ =	swait.ge [sflag:s11], $0x80  }
0x28: {  	[sflag:s11] =	ssyncset.done $0x0  }
0x29: {  	s30 =	sadd.s32 $0x20, s25;
	[sflag:s11] =	ssyncadd.s32 $0xFFFFFF80  }
0x2a: {  	[tilespmem:s16], [sflag:$0x2] =	stream.linear.gather [hbm4b:s30+s3], $0x80, $0x38;
	[tilespmem:$0x1C400] =	vst v63  }
0x2b: {  	_ =	swait.ge [sflag:s11], $0x80  }
0x2c: {  	[sflag:s11] =	ssyncset.done $0x0  }
0x2d: {  	s24 =	sadd.s32 $0x30, s24;
	[sflag:s11] =	ssyncadd.s32 $0xFFFFFF80  }
0x2e: {  	[tilespmem:s17], [sflag:$0x2] =	stream.linear.gather [hbm4b:s24+s3], $0x80, $0x38;
	[tilespmem:$0x1C400] =	vst v63  }
0x2f: {  	_ =	swait.ge [sflag:s11], $0x80  }
0x30: {  	[sflag:s11] =	ssyncset.done $0x0  }
0x31: {  	s31 =	sadd.s32 $0x30, s25;
	[sflag:s11] =	ssyncadd.s32 $0xFFFFFF80  }
0x32: {  	[tilespmem:s18], [sflag:$0x2] =	stream.linear.gather [hbm4b:s31+s3], $0x80, $0x38;
	[tilespmem:$0x1C400] =	vst v63  }
0x33: {  	_ =	swait.ge [sflag:s11], $0x80  }
0x34: {  	[sflag:s11] =	ssyncset.done $0x0  }
0x35: {  	[sflag:s11] =	ssyncadd.s32 $0xFFFFFF80  }
0x36: {  	[tilespmem:s19], [sflag:$0x1] =	stream.indirect.gather [hbm4b:s4+s13], $0x80, s3, s13, $0xb8;
	[tilespmem:$0x1C400] =	vst v63  }
0x37: {  	_ =	swait.ge [sflag:s20], $0x4000  }
0x38: {  	[sflag:s20] =	ssyncset.done $0x0  }
0x39: {  	[sflag:s20] =	ssyncadd.s32 $0xFFFFC000  }
0x3a: {  	[tilespmem:s21], [sflag:$0x1] =	stream.indirect.gather [hbm4b:s4+s13], $0x80, s13, s13, $0xb8;
	[tilespmem:$0x1C400] =	vst v63  }
0x3b: {  	_ = 	snop  }
0x3c: {  	[spmem:s2] =	stream.indirect.scatter.add.f32 [tilespmem:s19], [sflag:$0x2], $0x80, s12, s13, $0xb8;
	[tilespmem:$0x1C400] =	vst v63  }
0x3d: {  	_ =	swait.ge [sflag:s11], $0x4000  }
0x3e: {  	[sflag:s11] =	ssyncset.done $0x0  }
0x3f: {  	[sflag:s11] =	ssyncadd.s32 $0xFFFFC000  }
0x40: {  	_ =	swait.ge [sflag:s20], $0x4000  }
0x41: {  	[sflag:s20] =	ssyncset.done $0x0  }
0x42: {  	[sflag:s20] =	ssyncadd.s32 $0xFFFFC000  }
0x43: {  	[tilespmem:s19], [sflag:$0x1] =	stream.indirect.gather [hbm4b:s4+s13], $0x80, s15, s13, $0xb8;
	[tilespmem:$0x1C400] =	vst v63  }
0x44: {  	_ = 	snop  }
0x45: {  	[spmem:s2] =	stream.indirect.scatter.add.f32 [tilespmem:s21], [sflag:$0x2], $0x80, s14, s13, $0xb8;
	[tilespmem:$0x1C400] =	vst v63  }
0x46: {  	_ =	swait.ge [sflag:s11], $0x4000  }
0x47: {  	[sflag:s11] =	ssyncset.done $0x0  }
0x48: {  	[sflag:s11] =	ssyncadd.s32 $0xFFFFC000  }
0x49: {  	_ =	swait.ge [sflag:s20], $0x4000  }
0x4a: {  	[sflag:s20] =	ssyncset.done $0x0  }
0x4b: {  	[sflag:s20] =	ssyncadd.s32 $0xFFFFC000  }
0x4c: {  	[tilespmem:s21], [sflag:$0x1] =	stream.indirect.gather [hbm4b:s4+s13], $0x80, s17, s13, $0xb8;
	[tilespmem:$0x1C400] =	vst v63  }
0x4d: {  	_ = 	snop  }
0x4e: {  	[spmem:s2] =	stream.indirect.scatter.add.f32 [tilespmem:s19], [sflag:$0x2], $0x80, s16, s13, $0xb8;
	[tilespmem:$0x1C400] =	vst v63  }
0x4f: {  	_ =	swait.ge [sflag:s11], $0x4000  }
0x50: {  	[sflag:s11] =	ssyncset.done $0x0  }
0x51: {  	[sflag:s11] =	ssyncadd.s32 $0xFFFFC000  }
0x52: {  	_ =	swait.ge [sflag:s20], $0x4000  }
0x53: {  	[sflag:s20] =	ssyncset.done $0x0  }
0x54: {  	[sflag:s20] =	ssyncadd.s32 $0xFFFFC000  }
0x55: {  	[spmem:s2] =	stream.indirect.scatter.add.f32 [tilespmem:s21], [sflag:$0x2], $0x80, s18, s13, $0xb8;
	[tilespmem:$0x1C400] =	vst v63  }
0x56: {  	_ =	swait.ge [sflag:s11], $0x4000  }
0x57: {  	s26 =	simm.s32 $0x80;
	s24 =	simm.s32 $0x40;
	[sflag:s11] =	ssyncset.done $0x0  }
.LBB2_2:
0x58: {  	s28 =	sadd.s32 s24, s8  }
0x59: {  	[sflag:s11] =	ssyncadd.s32 $0xFFFFC000;
	s29 =	smov.u32 s26;
	s25 =	sadd.s32 $0x40, s26  }
0x5a: {  	[tilespmem:s3], [sflag:$0x2] =	stream.linear.gather [hbm4b:s28+s3], $0x80, $0x38;
	[tilespmem:$0x1C400] =	vst v63  }
0x5b: {  	p0 =	sne.s32 s26, $0x4C0;
	_ =	swait.ge [sflag:s11], $0x80  }
0x5c: {  	[sflag:s11] =	ssyncset.done $0x0  }
0x5d: {  	s26 =	sadd.s32 s24, s9;
	s24 =	smov.u32 s29;
	[sflag:s11] =	ssyncadd.s32 $0xFFFFFF80  }
0x5e: {  	[tilespmem:s12], [sflag:$0x2] =	stream.linear.gather [hbm4b:s26+s3], $0x80, $0x38;
	[tilespmem:$0x1C400] =	vst v63  }
0x5f: {  	_ =	swait.ge [sflag:s11], $0x80  }
0x60: {  	[sflag:s11] =	ssyncset.done $0x0  }
0x61: {  	s29 =	sadd.s32 $0x10, s28;
	[sflag:s11] =	ssyncadd.s32 $0xFFFFFF80  }
0x62: {  	[tilespmem:s13], [sflag:$0x2] =	stream.linear.gather [hbm4b:s29+s3], $0x80, $0x38;
	[tilespmem:$0x1C400] =	vst v63  }
0x63: {  	_ =	swait.ge [sflag:s11], $0x80  }
0x64: {  	[sflag:s11] =	ssyncset.done $0x0  }
0x65: {  	s29 =	sadd.s32 $0x10, s26;
	[sflag:s11] =	ssyncadd.s32 $0xFFFFFF80  }
0x66: {  	[tilespmem:s14], [sflag:$0x2] =	stream.linear.gather [hbm4b:s29+s3], $0x80, $0x38;
	[tilespmem:$0x1C400] =	vst v63  }
0x67: {  	_ =	swait.ge [sflag:s11], $0x80  }
0x68: {  	[sflag:s11] =	ssyncset.done $0x0  }
0x69: {  	s29 =	sadd.s32 $0x20, s28;
	[sflag:s11] =	ssyncadd.s32 $0xFFFFFF80  }
0x6a: {  	[tilespmem:s15], [sflag:$0x2] =	stream.linear.gather [hbm4b:s29+s3], $0x80, $0x38;
	[tilespmem:$0x1C400] =	vst v63  }
0x6b: {  	_ =	swait.ge [sflag:s11], $0x80  }
0x6c: {  	[sflag:s11] =	ssyncset.done $0x0  }
0x6d: {  	s29 =	sadd.s32 $0x20, s26;
	[sflag:s11] =	ssyncadd.s32 $0xFFFFFF80  }
0x6e: {  	[tilespmem:s16], [sflag:$0x2] =	stream.linear.gather [hbm4b:s29+s3], $0x80, $0x38;
	[tilespmem:$0x1C400] =	vst v63  }
0x6f: {  	_ =	swait.ge [sflag:s11], $0x80  }
0x70: {  	[sflag:s11] =	ssyncset.done $0x0  }
0x71: {  	s28 =	sadd.s32 $0x30, s28;
	[sflag:s11] =	ssyncadd.s32 $0xFFFFFF80  }
0x72: {  	[tilespmem:s17], [sflag:$0x2] =	stream.linear.gather [hbm4b:s28+s3], $0x80, $0x38;
	[tilespmem:$0x1C400] =	vst v63  }
0x73: {  	_ =	swait.ge [sflag:s11], $0x80  }
0x74: {  	[sflag:s11] =	ssyncset.done $0x0  }
0x75: {  	s26 =	sadd.s32 $0x30, s26;
	[sflag:s11] =	ssyncadd.s32 $0xFFFFFF80  }
0x76: {  	[tilespmem:s18], [sflag:$0x2] =	stream.linear.gather [hbm4b:s26+s3], $0x80, $0x38;
	[tilespmem:$0x1C400] =	vst v63  }
0x77: {  	_ =	swait.ge [sflag:s11], $0x80  }
0x78: {  	[sflag:s11] =	ssyncset.done $0x0  }
0x79: {  	[sflag:s11] =	ssyncadd.s32 $0xFFFFFF80  }
0x7a: {  	[tilespmem:s19], [sflag:$0x1] =	stream.indirect.gather [hbm4b:s4+s13], $0x80, s3, s13, $0xb8;
	[tilespmem:$0x1C400] =	vst v63  }
0x7b: {  	_ =	swait.ge [sflag:s20], $0x4000  }
0x7c: {  	[sflag:s20] =	ssyncset.done $0x0  }
0x7d: {  	[sflag:s20] =	ssyncadd.s32 $0xFFFFC000  }
0x7e: {  	[tilespmem:s21], [sflag:$0x1] =	stream.indirect.gather [hbm4b:s4+s13], $0x80, s13, s13, $0xb8;
	[tilespmem:$0x1C400] =	vst v63  }
0x7f: {  	_ = 	snop  }
0x80: {  	[spmem:s2] =	stream.indirect.scatter.add.f32 [tilespmem:s19], [sflag:$0x2], $0x80, s12, s13, $0xb8;
	[tilespmem:$0x1C400] =	vst v63  }
0x81: {  	_ =	swait.ge [sflag:s11], $0x4000  }
0x82: {  	[sflag:s11] =	ssyncset.done $0x0  }
0x83: {  	[sflag:s11] =	ssyncadd.s32 $0xFFFFC000  }
0x84: {  	_ =	swait.ge [sflag:s20], $0x4000  }
0x85: {  	[sflag:s20] =	ssyncset.done $0x0  }
0x86: {  	[sflag:s20] =	ssyncadd.s32 $0xFFFFC000  }
0x87: {  	[tilespmem:s19], [sflag:$0x1] =	stream.indirect.gather [hbm4b:s4+s13], $0x80, s15, s13, $0xb8;
	[tilespmem:$0x1C400] =	vst v63  }
0x88: {  	_ = 	snop  }
0x89: {  	[spmem:s2] =	stream.indirect.scatter.add.f32 [tilespmem:s21], [sflag:$0x2], $0x80, s14, s13, $0xb8;
	[tilespmem:$0x1C400] =	vst v63  }
0x8a: {  	_ =	swait.ge [sflag:s11], $0x4000  }
0x8b: {  	[sflag:s11] =	ssyncset.done $0x0  }
0x8c: {  	[sflag:s11] =	ssyncadd.s32 $0xFFFFC000  }
0x8d: {  	_ =	swait.ge [sflag:s20], $0x4000  }
0x8e: {  	[sflag:s20] =	ssyncset.done $0x0  }
0x8f: {  	[sflag:s20] =	ssyncadd.s32 $0xFFFFC000  }
0x90: {  	[tilespmem:s21], [sflag:$0x1] =	stream.indirect.gather [hbm4b:s4+s13], $0x80, s17, s13, $0xb8;
	[tilespmem:$0x1C400] =	vst v63  }
0x91: {  	_ = 	snop  }
0x92: {  	[spmem:s2] =	stream.indirect.scatter.add.f32 [tilespmem:s19], [sflag:$0x2], $0x80, s16, s13, $0xb8;
	[tilespmem:$0x1C400] =	vst v63  }
0x93: {  	_ =	swait.ge [sflag:s11], $0x4000  }
0x94: {  	[sflag:s11] =	ssyncset.done $0x0  }
0x95: {  	[sflag:s11] =	ssyncadd.s32 $0xFFFFC000  }
0x96: {  	_ =	swait.ge [sflag:s20], $0x4000  }
.Ltmp0:
0x97: {  	[sflag:s20] =	ssyncset.done $0x0;
	(pc) =	sbr.rel @p0 .LBB2_2-.Ltmp0, $4  }
0x98: {  	[sflag:s20] =	ssyncadd.s32 $0xFFFFC000  }
0x99: {  	[spmem:s2] =	stream.indirect.scatter.add.f32 [tilespmem:s21], [sflag:$0x2], $0x80, s18, s13, $0xb8;
	[tilespmem:$0x1C400] =	vst v63  }
0x9a: {  	_ =	swait.ge [sflag:s11], $0x4000  }
0x9b: {  	s26 =	smov.u32 s25;
	[sflag:s11] =	ssyncset.done $0x0  }
0x9c: {  	s25 =	sadd.s32 s24, s8;
	[sflag:s11] =	ssyncadd.s32 $0xFFFFC000  }
0x9d: {  	[tilespmem:s3], [sflag:$0x2] =	stream.linear.gather [hbm4b:s25+s3], $0x80, $0x38;
	[tilespmem:$0x1C400] =	vst v63  }
0x9e: {  	_ =	swait.ge [sflag:s11], $0x80  }
0x9f: {  	[sflag:s11] =	ssyncset.done $0x0  }
0xa0: {  	s28 =	sadd.s32 s24, s9;
	[sflag:s11] =	ssyncadd.s32 $0xFFFFFF80  }
0xa1: {  	[tilespmem:s12], [sflag:$0x2] =	stream.linear.gather [hbm4b:s28+s3], $0x80, $0x38;
	[tilespmem:$0x1C400] =	vst v63  }
0xa2: {  	_ =	swait.ge [sflag:s11], $0x80  }
0xa3: {  	[sflag:s11] =	ssyncset.done $0x0  }
0xa4: {  	s26 =	sadd.s32 $0x10, s25;
	[sflag:s11] =	ssyncadd.s32 $0xFFFFFF80  }
0xa5: {  	[tilespmem:s13], [sflag:$0x2] =	stream.linear.gather [hbm4b:s26+s3], $0x80, $0x38;
	[tilespmem:$0x1C400] =	vst v63  }
0xa6: {  	_ =	swait.ge [sflag:s11], $0x80  }
0xa7: {  	[sflag:s11] =	ssyncset.done $0x0  }
0xa8: {  	s29 =	sadd.s32 $0x10, s28;
	[sflag:s11] =	ssyncadd.s32 $0xFFFFFF80  }
0xa9: {  	[tilespmem:s14], [sflag:$0x2] =	stream.linear.gather [hbm4b:s29+s3], $0x80, $0x38;
	[tilespmem:$0x1C400] =	vst v63  }
0xaa: {  	_ =	swait.ge [sflag:s11], $0x80  }
0xab: {  	[sflag:s11] =	ssyncset.done $0x0  }
0xac: {  	s30 =	sadd.s32 $0x20, s25;
	[sflag:s11] =	ssyncadd.s32 $0xFFFFFF80  }
0xad: {  	[tilespmem:s15], [sflag:$0x2] =	stream.linear.gather [hbm4b:s30+s3], $0x80, $0x38;
	[tilespmem:$0x1C400] =	vst v63  }
0xae: {  	_ =	swait.ge [sflag:s11], $0x80  }
0xaf: {  	[sflag:s11] =	ssyncset.done $0x0  }
0xb0: {  	s31 =	sadd.s32 $0x20, s28;
	[sflag:s11] =	ssyncadd.s32 $0xFFFFFF80  }
0xb1: {  	[tilespmem:s16], [sflag:$0x2] =	stream.linear.gather [hbm4b:s31+s3], $0x80, $0x38;
	[tilespmem:$0x1C400] =	vst v63  }
0xb2: {  	_ =	swait.ge [sflag:s11], $0x80  }
0xb3: {  	[sflag:s11] =	ssyncset.done $0x0  }
0xb4: {  	s25 =	sadd.s32 $0x30, s25;
	[sflag:s11] =	ssyncadd.s32 $0xFFFFFF80  }
0xb5: {  	[tilespmem:s17], [sflag:$0x2] =	stream.linear.gather [hbm4b:s25+s3], $0x80, $0x38;
	[tilespmem:$0x1C400] =	vst v63  }
0xb6: {  	_ =	swait.ge [sflag:s11], $0x80  }
0xb7: {  	[sflag:s11] =	ssyncset.done $0x0  }
0xb8: {  	s24 =	sadd.s32 $0x30, s28;
	[sflag:s11] =	ssyncadd.s32 $0xFFFFFF80  }
0xb9: {  	[tilespmem:s18], [sflag:$0x2] =	stream.linear.gather [hbm4b:s24+s3], $0x80, $0x38;
	[tilespmem:$0x1C400] =	vst v63  }
0xba: {  	_ =	swait.ge [sflag:s11], $0x80  }
0xbb: {  	[sflag:s11] =	ssyncset.done $0x0  }
0xbc: {  	[sflag:s11] =	ssyncadd.s32 $0xFFFFFF80  }
0xbd: {  	[tilespmem:s19], [sflag:$0x1] =	stream.indirect.gather [hbm4b:s4+s13], $0x80, s3, s13, $0xb8;
	[tilespmem:$0x1C400] =	vst v63  }
0xbe: {  	_ =	swait.ge [sflag:s20], $0x4000  }
0xbf: {  	[sflag:s20] =	ssyncset.done $0x0  }
0xc0: {  	[sflag:s20] =	ssyncadd.s32 $0xFFFFC000  }
0xc1: {  	[tilespmem:s21], [sflag:$0x1] =	stream.indirect.gather [hbm4b:s4+s13], $0x80, s13, s13, $0xb8;
	[tilespmem:$0x1C400] =	vst v63  }
0xc2: {  	_ = 	snop  }
0xc3: {  	[spmem:s2] =	stream.indirect.scatter.add.f32 [tilespmem:s19], [sflag:$0x2], $0x80, s12, s13, $0xb8;
	[tilespmem:$0x1C400] =	vst v63  }
0xc4: {  	_ =	swait.ge [sflag:s11], $0x4000  }
0xc5: {  	[sflag:s11] =	ssyncset.done $0x0  }
0xc6: {  	[sflag:s11] =	ssyncadd.s32 $0xFFFFC000  }
0xc7: {  	_ =	swait.ge [sflag:s20], $0x4000  }
0xc8: {  	[sflag:s20] =	ssyncset.done $0x0  }
0xc9: {  	[sflag:s20] =	ssyncadd.s32 $0xFFFFC000  }
0xca: {  	[tilespmem:s19], [sflag:$0x1] =	stream.indirect.gather [hbm4b:s4+s13], $0x80, s15, s13, $0xb8;
	[tilespmem:$0x1C400] =	vst v63  }
0xcb: {  	_ = 	snop  }
0xcc: {  	[spmem:s2] =	stream.indirect.scatter.add.f32 [tilespmem:s21], [sflag:$0x2], $0x80, s14, s13, $0xb8;
	[tilespmem:$0x1C400] =	vst v63  }
0xcd: {  	_ =	swait.ge [sflag:s11], $0x4000  }
0xce: {  	[sflag:s11] =	ssyncset.done $0x0  }
0xcf: {  	[sflag:s11] =	ssyncadd.s32 $0xFFFFC000  }
0xd0: {  	_ =	swait.ge [sflag:s20], $0x4000  }
0xd1: {  	[sflag:s20] =	ssyncset.done $0x0  }
0xd2: {  	[sflag:s20] =	ssyncadd.s32 $0xFFFFC000  }
0xd3: {  	[tilespmem:s21], [sflag:$0x1] =	stream.indirect.gather [hbm4b:s4+s13], $0x80, s17, s13, $0xb8;
	[tilespmem:$0x1C400] =	vst v63  }
0xd4: {  	_ = 	snop  }
0xd5: {  	[spmem:s2] =	stream.indirect.scatter.add.f32 [tilespmem:s19], [sflag:$0x2], $0x80, s16, s13, $0xb8;
	[tilespmem:$0x1C400] =	vst v63  }
0xd6: {  	_ =	swait.ge [sflag:s11], $0x4000  }
0xd7: {  	[sflag:s11] =	ssyncset.done $0x0  }
0xd8: {  	[sflag:s11] =	ssyncadd.s32 $0xFFFFC000  }
0xd9: {  	_ =	swait.ge [sflag:s20], $0x4000  }
0xda: {  	[sflag:s20] =	ssyncset.done $0x0  }
0xdb: {  	[sflag:s20] =	ssyncadd.s32 $0xFFFFC000  }
0xdc: {  	[spmem:s2] =	stream.indirect.scatter.add.f32 [tilespmem:s21], [sflag:$0x2], $0x80, s18, s13, $0xb8;
	[tilespmem:$0x1C400] =	vst v63  }
0xdd: {  	_ =	swait.ge [sflag:s11], $0x4000  }
0xde: {  	s23 =	sadd.s32 $0x1, s23;
	[sflag:s11] =	ssyncset.done $0x0  }
0xdf: {  	p0 =	sne.s32 s23, s7;
	[sflag:s11] =	ssyncadd.s32 $0xFFFFC000  }
.Ltmp1:
0xe0: {  	[bflag:$0x0] =	sbarrier.arrive $0xFFFF;
	(pc) =	sbr.rel @p0 .LBB2_1-.Ltmp1, $4  }
0xe1: {  	[hbm:s22], [sflag:s6] =	dma.local [spmem:s10], $0x2800  }
0xe2: {  	_ =	swait.ge [sflag:s11], $0x2800  }
0xe3: {  	[sflag:s11] =	ssyncset.done $0x0  }
0xe4: {  	[sflag:s11] =	ssyncadd.s32 $0xFFFFD800  }
0xe5: {  	_ =	sfence.sel $0x180000  }
0xe6: {  	[bflag:$0x0] =	sbarrier.arrive $0xFFFF  }
0xe7: {  	p0 =	sne.s32 s0, $0x0;
	_ =	strace $0x9000004A  }
0xe8: {  	s0 =	sadd.s32 @!p0 $0x100000, s1;
	[bflag:$0x2] =	sbarrier.arrive $0xFFFF  }
0xe9: {  	[sflag:s0] =	ssyncadd.tile.s32 @!p0 $0x1;
	_ =	shalt  }
.Lfunc_end2:
_tile_overlayer_lowered:
.L_overlay_start_2:
0xea: {  	(tag) =	ssettag $0x2  }
0xeb: {  	s0 =	rddreg [dreg:$0x0];
	s2 =	stileid.u32  }
0xec: {  	s1 =	rddreg [dreg:$0x1];
	p0 =	sne.s32 s2, $0x0  }
0xed: {  	s3 =	rddreg [dreg:$0x2];
	[bflag:$0x3] =	sbarrier.arrive $0xFFFF;
	s2 =	simm.s32 @!p0 $0x1C02  }
0xee: {  	[timem:s3], [sflag:s2] =	dma.local @!p0 [hbm:s0], s1  }
0xef: {  	s0 =	simm.s32 @!p0 $0x2  }
0xf0: {  	_ =	swait.ge @!p0 [sflag:s0], s1  }
0xf1: {  	s1 =	ssub.s32 @!p0 $0x0, s1;
	[sflag:s0] =	ssyncset.done @!p0 $0x0  }
0xf2: {  	[sflag:s0] =	ssyncadd.s32 @!p0 s1  }
0xf3: {  	[bflag:$0x3] =	sbarrier.arrive $0xFFFF  }
0xf4: {  	_ =	shalt  }

// kernel: kernel.14.cloned.1.call-start
scs
__scs_entry_jumppad:
0x0: {  	(pc) =	sbr.rel $0x88, $3  }
0x1: {  	(tag) =	ssettag $0x0;
	lr =	simm.s32 $0x1  }
0x2: {  	[smem:$0x3F9B] =	sst lr;
	_ =	strace $0xD0000000  }
0x3: {  	_ = 	snop  }
0x4: {  	_ = 	snop  }
0x5: {  	_ = 	snop  }
0x6: {  	_ = 	snop  }
0x7: {  	_ = 	snop  }
__scs_overlays_trampoline_lowered:
0x8: {  	[smem:$0x3FAA] =	sst s0  }
0x9: {  	[smem:$0x3FAB] =	sst s1  }
0xa: {  	[smem:$0x3FAC] =	sst s2  }
0xb: {  	[smem:$0x3FAD] =	sst s3  }
0xc: {  	[smem:$0x3FAE] =	sst s4  }
0xd: {  	[smem:$0x3FAF] =	sst s5  }
0xe: {  	[smem:$0x3FB0] =	sst s6  }
0xf: {  	[smem:$0x3FB1] =	sst s7  }
0x10: {  	[smem:$0x3FB2] =	sst s8  }
0x11: {  	[smem:$0x3FB3] =	sst s9;
	s0 =	simm.s32 @!p0 $0x0  }
0x12: {  	s1 =	sld [smem:$0x3F99];
	s0 =	simm.s32 @p0 $0x1  }
0x13: {  	[smem:$0x3FB4] =	sst s0;
	s0 =	simm.s32 @!p1 $0x0  }
0x14: {  	s2 =	sld [smem:$0x3F98];
	s0 =	simm.s32 @p1 $0x1  }
0x15: {  	[smem:$0x3FB5] =	sst s0;
	s0 =	simm.s32 @!p2 $0x0  }
0x16: {  	s3 =	sld [smem:$0x3FDB];
	s0 =	simm.s32 @p2 $0x1  }
0x17: {  	s4 =	simm.s32 $0x1BF5;
	[smem:$0x3FB7] =	sst s0  }
0x18: {  	s0 =	sld [smem:$0x3F9A];
	_ =	swait.ge [sflag:s4], $0x0  }
0x19: {  	s7 =	sld [smem:$0x3F9B]  }
0x1a: {  	s8 =	sadd.s32 $0xFFFFE003, lr  }
0x1b: {  	s9 =	sadd.s32 $0xFFFFFEF7, lr;
	s5 =	simm.s32 $0xFFFFFFFF;
	p2 =	slt.u32 s8, $0xFFFFF086  }
0x1c: {  	p1 =	slt.u32 s9, $0xF7A;
	s5 =	simm.s32 @!p2 $0x0  }
0x1d: {  	s5 =	simm.s32 @p1 $0x1;
	p0 =	seq.s32 s7, s2  }
0x1e: {  	s7 =	smul.u32 @!p0 $0xF7A, s2;
	p2 =	seq.s32 @!p0 s5, $0x0  }
0x1f: {  	s9 =	smul.u32 $0xF7A, s1;
	s8 =	simm.s32 @!p0 $0x1BF5;
	p2 =	por !p2, p0  }
0x20: {  	[sflag:s8] =	ssyncset.s32 @!p0 $0xFFFFF086;
	s6 =	sadd.s32 @!p0 s3, s7;
	s7 =	simm.s32 @!p0 $0x108  }
0x21: {  	s3 =	sadd.s32 s3, s9;
	s6 =	sadd.s32 @!p0 $0x88, s6;
	s7 =	simm.s32 @p2 $0x1082  }
0x22: {  	[simem:s7], [sflag:s8] =	dma.local @!p0 [hbm:s6], $0xF7A  }
0x23: {  	s9 =	sor.u32 $0xD0000000, s2;
	s6 =	simm.s32 $0x108;
	_ =	swait.ge @!p0 [sflag:s8], $0x0  }
0x24: {  	s3 =	sadd.s32 $0x88, s3;
	s6 =	simm.s32 @!p1 $0x1082;
	[sflag:s4] =	ssyncset.s32 $0xFFFFF086  }
0x25: {  	[simem:s6], [sflag:s4] =	dma.local [hbm:s3], $0xF7A  }
0x26: {  	[smem:$0x3F9B] =	sst s1;
	(tag) =	ssettag s2;
	_ =	strace s9  }
0x27: {  	s1 =	sld [smem:$0x3FAB]  }
0x28: {  	s2 =	sld [smem:$0x3FAC]  }
0x29: {  	s4 =	sld [smem:$0x3FAE]  }
0x2a: {  	p0 =	seq.s32 s5, $0x0;
	s5 =	sld [smem:$0x3FAF]  }
0x2b: {  	s6 =	sld [smem:$0x3FB0]  }
0x2c: {  	s7 =	sld [smem:$0x3FB1]  }
0x2d: {  	s3 =	simm.s32 $0x108;
	s8 =	sld [smem:$0x3FB2]  }
0x2e: {  	s3 =	simm.s32 @!p0 $0x1082;
	s9 =	sld [smem:$0x3FB3]  }
0x2f: {  	lr =	sadd.s32 s0, s3;
	s0 =	sld [smem:$0x3FAA]  }
0x30: {  	s3 =	sld [smem:$0x3FAD]  }
0x31: {  	[smem:$0x3FB6] =	sst s10  }
0x32: {  	s10 =	sld [smem:$0x3FB4];
	_ =	sdelay $0x3  }
0x33: {  	p0 =	seq.s32 s10, $0x1;
	s10 =	sld [smem:$0x3FB6];
	_ =	sdelay $0x3  }
0x34: {  	[smem:$0x3FB6] =	sst s10  }
0x35: {  	s10 =	sld [smem:$0x3FB5];
	_ =	sdelay $0x3  }
0x36: {  	p1 =	seq.s32 s10, $0x1;
	s10 =	sld [smem:$0x3FB6];
	_ =	sdelay $0x3  }
0x37: {  	[smem:$0x3FB6] =	sst s10  }
0x38: {  	s10 =	sld [smem:$0x3FB7]  }
0x39: {  	_ = 	snop;
	(pc) =	sbr.ind lr, $3  }
0x3a: {  	_ = 	snop  }
0x3b: {  	_ = 	snop  }
0x3c: {  	p2 =	seq.s32 s10, $0x1;
	s10 =	sld [smem:$0x3FB6]  }
0x3d: {  	_ =	shalt  }
0x3e: {  	_ =	shalt  }
0x3f: {  	_ =	shalt  }
0x40: {  	_ =	shalt  }
0x41: {  	_ =	shalt  }
0x42: {  	_ =	shalt  }
0x43: {  	_ =	shalt  }
0x44: {  	_ =	shalt  }
0x45: {  	_ =	shalt  }
0x46: {  	_ =	shalt  }
0x47: {  	_ =	shalt  }
0x48: {  	_ =	shalt  }
0x49: {  	_ =	shalt  }
0x4a: {  	_ =	shalt  }
0x4b: {  	_ =	shalt  }
0x4c: {  	_ =	shalt  }
0x4d: {  	_ =	shalt  }
0x4e: {  	_ =	shalt  }
0x4f: {  	_ =	shalt  }
0x50: {  	_ =	shalt  }
0x51: {  	_ =	shalt  }
0x52: {  	_ =	shalt  }
0x53: {  	_ =	shalt  }
0x54: {  	_ =	shalt  }
0x55: {  	_ =	shalt  }
0x56: {  	_ =	shalt  }
0x57: {  	_ =	shalt  }
0x58: {  	_ =	shalt  }
0x59: {  	_ =	shalt  }
0x5a: {  	_ =	shalt  }
0x5b: {  	_ =	shalt  }
0x5c: {  	_ =	shalt  }
0x5d: {  	_ =	shalt  }
0x5e: {  	_ =	shalt  }
0x5f: {  	_ =	shalt  }
0x60: {  	_ =	shalt  }
0x61: {  	_ =	shalt  }
0x62: {  	_ =	shalt  }
0x63: {  	_ =	shalt  }
0x64: {  	_ =	shalt  }
0x65: {  	_ =	shalt  }
0x66: {  	_ =	shalt  }
0x67: {  	_ =	shalt  }
0x68: {  	_ =	shalt  }
0x69: {  	_ =	shalt  }
0x6a: {  	_ =	shalt  }
0x6b: {  	_ =	shalt  }
0x6c: {  	_ =	shalt  }
0x6d: {  	_ =	shalt  }
0x6e: {  	_ =	shalt  }
0x6f: {  	_ =	shalt  }
0x70: {  	_ =	shalt  }
0x71: {  	_ =	shalt  }
0x72: {  	_ =	shalt  }
0x73: {  	_ =	shalt  }
0x74: {  	_ =	shalt  }
0x75: {  	_ =	shalt  }
0x76: {  	_ =	shalt  }
0x77: {  	_ =	shalt  }
0x78: {  	_ =	shalt  }
0x79: {  	_ =	shalt  }
0x7a: {  	_ =	shalt  }
0x7b: {  	_ =	shalt  }
0x7c: {  	_ =	shalt  }
0x7d: {  	_ =	shalt  }
0x7e: {  	_ =	shalt  }
0x7f: {  	_ =	shalt  }
0x80: {  	_ =	shalt  }
0x81: {  	_ =	shalt  }
0x82: {  	_ =	shalt  }
0x83: {  	_ =	shalt  }
0x84: {  	_ =	shalt  }
0x85: {  	_ =	shalt  }
0x86: {  	_ =	shalt  }
0x87: {  	_ =	shalt  }
.Lfunc_end0:
.L_simem_size_0:
called_computation.2_lowered:
.L_overlay_start_0:
0x88: {  	s2 =	sld [smem:$0x3FD9]  }
0x89: {  	s3 =	sld [smem:$0x3FFE];
	_ =	sdelay $0x1  }
0x8a: {  	s1 =	srdreg.scid  }
0x8b: {  	s0 =	sand.u32 $0x1, s1  }
0x8c: {  	s17 =	sshll.u32 s0, $0xA;
	s2 =	sadd.s32 s3, s2  }
0x8d: {  	s2 =	sadd.s32 s2, s17  }
0x8e: {  	[smem:$0x3FC2] =	sst s2  }
0x8f: {  	_ = 	snop  }
0x90: {  	s2 =	sld [smem:$0x3FD0];
	(tm) =	ssettm $0x1  }
0x91: {  	s18 =	sld [smem:$0x3FFB];
	_ =	sdelay $0x3  }
0x92: {  	_ =	strace s18  }
0x93: {  	s3 =	sld [smem:$0x3FFC];
	_ =	sdelay $0x3  }
0x94: {  	_ =	strace s3  }
0x95: {  	s3 =	sld [smem:$0x3FFD];
	_ =	sdelay $0x3  }
0x96: {  	_ =	strace s3  }
0x97: {  	_ =	strace $0x8FFFFFFF  }
0x98: {  	s19 =	sld [smem:$0x3FDB];
	_ =	sdelay $0x1  }
0x99: {  	s4 =	simm.s32 $_scs_section_size  }
0x9a: {  	s5 =	simm.s32 $_size__tile_overlayer_lowered;
	s6 =	simm.s32 $_tile_overlayer_lowered  }
0x9b: {  	s22 =	simm.s32 $0x1BFF;
	s21 =	sshll.u32 s6, $0x1;
	s3 =	sadd.s32 s4, s19  }
0x9c: {  	s7 =	simm.s32 $0x0;
	s20 =	sshll.u32 s5, $0x1;
	s5 =	sadd.s32 s21, s3  }
0x9d: {  	[timem:s7], [sflag:s22] =	dma.local [hbm:s5], s20  }
0x9e: {  	_ =	swait.ge [sflag:s22], s20  }
0x9f: {  	s4 =	ssub.s32 $0x0, s20;
	[sflag:s22] =	ssyncset.done $0x0  }
0xa0: {  	[sflag:s22] =	ssyncadd.s32 s4;
	_ =	sdelay $0x1  }
0xa1: {  	s23 =	simm.s32 $0x1B8B  }
0xa2: {  	_ =	swait.ge [sflag:s23], $0x1  }
0xa3: {  	[sflag:s23] =	ssyncset.done $0x0  }
0xa4: {  	s25 =	simm.s32 $0x1B8E;
	s24 =	sld [smem:$0x3FFE];
	[sflag:s23] =	ssyncadd.s32 $0xFFFFFFFF  }
0xa5: {  	s26 =	simm.s32 $execute0_lowered;
	[smem:$0x3FD2] =	sst s25  }
0xa6: {  	s5 =	sshll.u32 s26, $0x1;
	_ =	strace $0x8000004C;
	[dreg:$0x1] =	wrdreg $0xFFFFFFFF  }
0xa7: {  	s28 =	simm.s32 $_size_execute0_lowered;
	s3 =	sadd.s32 s3, s5;
	[dreg:$0x0] =	wrdreg $0x0  }
0xa8: {  	s5 =	sshll.u32 s28, $0x1;
	[dreg:$0x2] =	wrdreg s3  }
0xa9: {  	[dreg:$0x3] =	wrdreg s5  }
0xaa: {  	[dreg:$0x4] =	wrdreg $0xC0  }
0xab: {  	_ =	task [dreg:s7], $0x5FFFF  }
0xac: {  	[dreg:$0x1] =	wrdreg $0xFFFFFFFF  }
0xad: {  	[dreg:$0x0] =	wrdreg $0x60  }
0xae: {  	[dreg:$0x2] =	wrdreg s24  }
0xaf: {  	[dreg:$0x3] =	wrdreg s2  }
0xb0: {  	[dreg:$0x4] =	wrdreg $0x84000  }
0xb1: {  	[dreg:$0x5] =	wrdreg $0x9  }
0xb2: {  	_ =	task.clear_ibuf [dreg:s7], $0x6FFFF;
	_ =	strace $0x9000004C  }
0xb3: {  	s29 =	simm.s32 $0x9;
	_ =	strace $0x8000004E  }
0xb4: {  	_ =	swait.ge [sflag:s29], $0x1  }
0xb5: {  	[sflag:s29] =	ssyncadd.s32 $0xFFFFFFFF  }
0xb6: {  	_ =	strace $0x9000004E  }
0xb7: {  	_ =	sfence  }
0xb8: {  	s30 =	sld [smem:$0x0];
	_ =	sdelay $0x2  }
0xb9: {  	s31 =	sshll.u32 s1, $0xD;
	s1 =	sshrl.u32 s1, $0x2  }
0xba: {  	s3 =	sand.u32 $0x4000, s31;
	s1 =	sadd.s32 s1, s30  }
0xbb: {  	s0 =	sor.u32 s3, s0;
	s1 =	sshll.u32 s1, $0x11  }
0xbc: {  	s0 =	sor.u32 s1, s0  }
0xbd: {  	s0 =	sadd.s32 $0x8F2B, s0  }
0xbe: {  	[sflag:s0] =	ssyncadd.remote.s32 $0x1  }
0xbf: {  	_ =	sfence.sel $0xFFFF  }
0xc0: {  	[dreg:$0x0] =	wrdreg $0xFFFFFFFF;
	(pc) =	sbr.abs _section_cstart, $3  }
0xc1: {  	[dreg:$0x1] =	wrdreg $0xFFFFFFFF  }
0xc2: {  	_ =	task.clear_ibuf [dreg:s7], $0x2FFFF;
	_ =	strace $0x9FFFFFFF  }
0xc3: {  	(tm) =	ssettm $0x7FFFFFFF  }
tec
execute0_lowered:
.L_overlay_start_1:
0x0: {  	(tag) =	ssettag $0x1  }
0x1: {  	s5 =	rddreg [dreg:$0x0]  }
0x2: {  	s1 =	srdreg.scid;
	s9 =	rddreg [dreg:$0x1]  }
0x3: {  	s0 =	stileid.u32;
	s2 =	rddreg [dreg:$0x2];
	s3 =	simm.s32 $0x0  }
0x4: {  	s14 =	simm.s32 $0x280;
	s15 =	simm.s32 $0x100;
	s16 =	simm.s32 $0x300  }
0x5: {  	s17 =	simm.s32 $0x180;
	s18 =	simm.s32 $0x380;
	s19 =	simm.s32 $0x400  }
0x6: {  	s20 =	simm.s32 $0x1;
	s6 =	sand.u32 $0x1, s1;
	s1 =	rddreg [dreg:$0x3]  }
0x7: {  	s21 =	simm.s32 $0x4400;
	s22 =	smul.u32 $0x2800, s0;
	[smem:$0x7FF] =	sst s3  }
0x8: {  	s4 =	sadd.s32 $0x29E00, s5;
	s11 =	smul.u32 $0x50000, s0;
	s31 =	sshll.u32 s0, $0x6  }
0x9: {  	s7 =	smul.u32 $0x28000, s6;
	_ =	strace $0x8000004D;
	s6 =	ssub.s32 $0x2, s6  }
0xa: {  	s12 =	sadd.s32 s22, s5;
	s29 =	sshrl.u32 s6, $0x1;
	s30 =	sshrl.u32 s11, $0x2  }
0xb: {  	s8 =	sadd.s32 s22, s7;
	s7 =	sadd.s32 s7, s5;
	s13 =	ssub.s32 s6, s29  }
0xc: {  	s11 =	sadd.s32 s30, s2;
	s6 =	sor.u32 $0x1C02, s31;
	s10 =	sshrl.u32 s8, $0x3  }
0xd: {  	s23 =	sadd.s32 $0x84800, s7;
	s7 =	smax.u32 s13, $0x1;
	s13 =	simm.s32 $0x80  }
0xe: {  	s8 =	sadd.s32 s10, s5;
	s5 =	sadd.s32 $0x1E00, s12;
	s9 =	sadd.s32 s10, s9  }
0xf: {  	s10 =	sshrl.u32 s11, $0x3;
	s11 =	simm.s32 $0x2;
	s12 =	simm.s32 $0x200  }
0x10: {  	s22 =	sadd.s32 s22, s23;
	s23 =	simm.s32 $0x0;
	s8 =	sadd.s32 $0x7A600, s8  }
.LBB2_1:
0x11: {  	[spmem:s10], [sflag:s6] =	dma.local [hbm:s5], $0x2800  }
0x12: {  	_ =	swait.ge [sflag:s11], $0x2800  }
0x13: {  	[sflag:s11] =	ssyncset.done $0x0  }
0x14: {  	[sflag:s11] =	ssyncadd.s32 $0xFFFFD800  }
0x15: {  	s24 =	sadd.s32 $0x0, s8;
	[bflag:$0x0] =	sbarrier.arrive $0xFFFF  }
0x16: {  	[tilespmem:s3], [sflag:$0x2] =	stream.linear.gather [hbm4b:s24+s3], $0x80, $0x38;
	[tilespmem:$0x1C400] =	vst v63  }
0x17: {  	_ =	swait.ge [sflag:s11], $0x80  }
0x18: {  	[sflag:s11] =	ssyncset.done $0x0  }
0x19: {  	s25 =	sadd.s32 $0x0, s9;
	[sflag:s11] =	ssyncadd.s32 $0xFFFFFF80  }
0x1a: {  	[tilespmem:s12], [sflag:$0x2] =	stream.linear.gather [hbm4b:s25+s3], $0x80, $0x38;
	[tilespmem:$0x1C400] =	vst v63  }
0x1b: {  	_ =	swait.ge [sflag:s11], $0x80  }
0x1c: {  	[sflag:s11] =	ssyncset.done $0x0  }
0x1d: {  	s26 =	sadd.s32 $0x10, s24;
	[sflag:s11] =	ssyncadd.s32 $0xFFFFFF80  }
0x1e: {  	[tilespmem:s13], [sflag:$0x2] =	stream.linear.gather [hbm4b:s26+s3], $0x80, $0x38;
	[tilespmem:$0x1C400] =	vst v63  }
0x1f: {  	_ =	swait.ge [sflag:s11], $0x80  }
0x20: {  	[sflag:s11] =	ssyncset.done $0x0  }
0x21: {  	s28 =	sadd.s32 $0x10, s25;
	[sflag:s11] =	ssyncadd.s32 $0xFFFFFF80  }
0x22: {  	[tilespmem:s14], [sflag:$0x2] =	stream.linear.gather [hbm4b:s28+s3], $0x80, $0x38;
	[tilespmem:$0x1C400] =	vst v63  }
0x23: {  	_ =	swait.ge [sflag:s11], $0x80  }
0x24: {  	[sflag:s11] =	ssyncset.done $0x0  }
0x25: {  	s29 =	sadd.s32 $0x20, s24;
	[sflag:s11] =	ssyncadd.s32 $0xFFFFFF80  }
0x26: {  	[tilespmem:s15], [sflag:$0x2] =	stream.linear.gather [hbm4b:s29+s3], $0x80, $0x38;
	[tilespmem:$0x1C400] =	vst v63  }
0x27: {  	_ =	swait.ge [sflag:s11], $0x80  }
0x28: {  	[sflag:s11] =	ssyncset.done $0x0  }
0x29: {  	s30 =	sadd.s32 $0x20, s25;
	[sflag:s11] =	ssyncadd.s32 $0xFFFFFF80  }
0x2a: {  	[tilespmem:s16], [sflag:$0x2] =	stream.linear.gather [hbm4b:s30+s3], $0x80, $0x38;
	[tilespmem:$0x1C400] =	vst v63  }
0x2b: {  	_ =	swait.ge [sflag:s11], $0x80  }
0x2c: {  	[sflag:s11] =	ssyncset.done $0x0  }
0x2d: {  	s24 =	sadd.s32 $0x30, s24;
	[sflag:s11] =	ssyncadd.s32 $0xFFFFFF80  }
0x2e: {  	[tilespmem:s17], [sflag:$0x2] =	stream.linear.gather [hbm4b:s24+s3], $0x80, $0x38;
	[tilespmem:$0x1C400] =	vst v63  }
0x2f: {  	_ =	swait.ge [sflag:s11], $0x80  }
0x30: {  	[sflag:s11] =	ssyncset.done $0x0  }
0x31: {  	s31 =	sadd.s32 $0x30, s25;
	[sflag:s11] =	ssyncadd.s32 $0xFFFFFF80  }
0x32: {  	[tilespmem:s18], [sflag:$0x2] =	stream.linear.gather [hbm4b:s31+s3], $0x80, $0x38;
	[tilespmem:$0x1C400] =	vst v63  }
0x33: {  	_ =	swait.ge [sflag:s11], $0x80  }
0x34: {  	[sflag:s11] =	ssyncset.done $0x0  }
0x35: {  	[sflag:s11] =	ssyncadd.s32 $0xFFFFFF80  }
0x36: {  	[tilespmem:s19], [sflag:$0x1] =	stream.indirect.gather [hbm4b:s4+s13], $0x80, s3, s13, $0xb8;
	[tilespmem:$0x1C400] =	vst v63  }
0x37: {  	_ =	swait.ge [sflag:s20], $0x4000  }
0x38: {  	[sflag:s20] =	ssyncset.done $0x0  }
0x39: {  	[sflag:s20] =	ssyncadd.s32 $0xFFFFC000  }
0x3a: {  	[tilespmem:s21], [sflag:$0x1] =	stream.indirect.gather [hbm4b:s4+s13], $0x80, s13, s13, $0xb8;
	[tilespmem:$0x1C400] =	vst v63  }
0x3b: {  	_ = 	snop  }
0x3c: {  	[spmem:s2] =	stream.indirect.scatter.add.f32 [tilespmem:s19], [sflag:$0x2], $0x80, s12, s13, $0xb8;
	[tilespmem:$0x1C400] =	vst v63  }
0x3d: {  	_ =	swait.ge [sflag:s11], $0x4000  }
0x3e: {  	[sflag:s11] =	ssyncset.done $0x0  }
0x3f: {  	[sflag:s11] =	ssyncadd.s32 $0xFFFFC000  }
0x40: {  	_ =	swait.ge [sflag:s20], $0x4000  }
0x41: {  	[sflag:s20] =	ssyncset.done $0x0  }
0x42: {  	[sflag:s20] =	ssyncadd.s32 $0xFFFFC000  }
0x43: {  	[tilespmem:s19], [sflag:$0x1] =	stream.indirect.gather [hbm4b:s4+s13], $0x80, s15, s13, $0xb8;
	[tilespmem:$0x1C400] =	vst v63  }
0x44: {  	_ = 	snop  }
0x45: {  	[spmem:s2] =	stream.indirect.scatter.add.f32 [tilespmem:s21], [sflag:$0x2], $0x80, s14, s13, $0xb8;
	[tilespmem:$0x1C400] =	vst v63  }
0x46: {  	_ =	swait.ge [sflag:s11], $0x4000  }
0x47: {  	[sflag:s11] =	ssyncset.done $0x0  }
0x48: {  	[sflag:s11] =	ssyncadd.s32 $0xFFFFC000  }
0x49: {  	_ =	swait.ge [sflag:s20], $0x4000  }
0x4a: {  	[sflag:s20] =	ssyncset.done $0x0  }
0x4b: {  	[sflag:s20] =	ssyncadd.s32 $0xFFFFC000  }
0x4c: {  	[tilespmem:s21], [sflag:$0x1] =	stream.indirect.gather [hbm4b:s4+s13], $0x80, s17, s13, $0xb8;
	[tilespmem:$0x1C400] =	vst v63  }
0x4d: {  	_ = 	snop  }
0x4e: {  	[spmem:s2] =	stream.indirect.scatter.add.f32 [tilespmem:s19], [sflag:$0x2], $0x80, s16, s13, $0xb8;
	[tilespmem:$0x1C400] =	vst v63  }
0x4f: {  	_ =	swait.ge [sflag:s11], $0x4000  }
0x50: {  	[sflag:s11] =	ssyncset.done $0x0  }
0x51: {  	[sflag:s11] =	ssyncadd.s32 $0xFFFFC000  }
0x52: {  	_ =	swait.ge [sflag:s20], $0x4000  }
0x53: {  	[sflag:s20] =	ssyncset.done $0x0  }
0x54: {  	[sflag:s20] =	ssyncadd.s32 $0xFFFFC000  }
0x55: {  	[spmem:s2] =	stream.indirect.scatter.add.f32 [tilespmem:s21], [sflag:$0x2], $0x80, s18, s13, $0xb8;
	[tilespmem:$0x1C400] =	vst v63  }
0x56: {  	_ =	swait.ge [sflag:s11], $0x4000  }
0x57: {  	s26 =	simm.s32 $0x80;
	s24 =	simm.s32 $0x40;
	[sflag:s11] =	ssyncset.done $0x0  }
.LBB2_2:
0x58: {  	s28 =	sadd.s32 s24, s8  }
0x59: {  	[sflag:s11] =	ssyncadd.s32 $0xFFFFC000;
	s29 =	smov.u32 s26;
	s25 =	sadd.s32 $0x40, s26  }
0x5a: {  	[tilespmem:s3], [sflag:$0x2] =	stream.linear.gather [hbm4b:s28+s3], $0x80, $0x38;
	[tilespmem:$0x1C400] =	vst v63  }
0x5b: {  	p0 =	sne.s32 s26, $0x4C0;
	_ =	swait.ge [sflag:s11], $0x80  }
0x5c: {  	[sflag:s11] =	ssyncset.done $0x0  }
0x5d: {  	s26 =	sadd.s32 s24, s9;
	s24 =	smov.u32 s29;
	[sflag:s11] =	ssyncadd.s32 $0xFFFFFF80  }
0x5e: {  	[tilespmem:s12], [sflag:$0x2] =	stream.linear.gather [hbm4b:s26+s3], $0x80, $0x38;
	[tilespmem:$0x1C400] =	vst v63  }
0x5f: {  	_ =	swait.ge [sflag:s11], $0x80  }
0x60: {  	[sflag:s11] =	ssyncset.done $0x0  }
0x61: {  	s29 =	sadd.s32 $0x10, s28;
	[sflag:s11] =	ssyncadd.s32 $0xFFFFFF80  }
0x62: {  	[tilespmem:s13], [sflag:$0x2] =	stream.linear.gather [hbm4b:s29+s3], $0x80, $0x38;
	[tilespmem:$0x1C400] =	vst v63  }
0x63: {  	_ =	swait.ge [sflag:s11], $0x80  }
0x64: {  	[sflag:s11] =	ssyncset.done $0x0  }
0x65: {  	s29 =	sadd.s32 $0x10, s26;
	[sflag:s11] =	ssyncadd.s32 $0xFFFFFF80  }
0x66: {  	[tilespmem:s14], [sflag:$0x2] =	stream.linear.gather [hbm4b:s29+s3], $0x80, $0x38;
	[tilespmem:$0x1C400] =	vst v63  }
0x67: {  	_ =	swait.ge [sflag:s11], $0x80  }
0x68: {  	[sflag:s11] =	ssyncset.done $0x0  }
0x69: {  	s29 =	sadd.s32 $0x20, s28;
	[sflag:s11] =	ssyncadd.s32 $0xFFFFFF80  }
0x6a: {  	[tilespmem:s15], [sflag:$0x2] =	stream.linear.gather [hbm4b:s29+s3], $0x80, $0x38;
	[tilespmem:$0x1C400] =	vst v63  }
0x6b: {  	_ =	swait.ge [sflag:s11], $0x80  }
0x6c: {  	[sflag:s11] =	ssyncset.done $0x0  }
0x6d: {  	s29 =	sadd.s32 $0x20, s26;
	[sflag:s11] =	ssyncadd.s32 $0xFFFFFF80  }
0x6e: {  	[tilespmem:s16], [sflag:$0x2] =	stream.linear.gather [hbm4b:s29+s3], $0x80, $0x38;
	[tilespmem:$0x1C400] =	vst v63  }
0x6f: {  	_ =	swait.ge [sflag:s11], $0x80  }
0x70: {  	[sflag:s11] =	ssyncset.done $0x0  }
0x71: {  	s28 =	sadd.s32 $0x30, s28;
	[sflag:s11] =	ssyncadd.s32 $0xFFFFFF80  }
0x72: {  	[tilespmem:s17], [sflag:$0x2] =	stream.linear.gather [hbm4b:s28+s3], $0x80, $0x38;
	[tilespmem:$0x1C400] =	vst v63  }
0x73: {  	_ =	swait.ge [sflag:s11], $0x80  }
0x74: {  	[sflag:s11] =	ssyncset.done $0x0  }
0x75: {  	s26 =	sadd.s32 $0x30, s26;
	[sflag:s11] =	ssyncadd.s32 $0xFFFFFF80  }
0x76: {  	[tilespmem:s18], [sflag:$0x2] =	stream.linear.gather [hbm4b:s26+s3], $0x80, $0x38;
	[tilespmem:$0x1C400] =	vst v63  }
0x77: {  	_ =	swait.ge [sflag:s11], $0x80  }
0x78: {  	[sflag:s11] =	ssyncset.done $0x0  }
0x79: {  	[sflag:s11] =	ssyncadd.s32 $0xFFFFFF80  }
0x7a: {  	[tilespmem:s19], [sflag:$0x1] =	stream.indirect.gather [hbm4b:s4+s13], $0x80, s3, s13, $0xb8;
	[tilespmem:$0x1C400] =	vst v63  }
0x7b: {  	_ =	swait.ge [sflag:s20], $0x4000  }
0x7c: {  	[sflag:s20] =	ssyncset.done $0x0  }
0x7d: {  	[sflag:s20] =	ssyncadd.s32 $0xFFFFC000  }
0x7e: {  	[tilespmem:s21], [sflag:$0x1] =	stream.indirect.gather [hbm4b:s4+s13], $0x80, s13, s13, $0xb8;
	[tilespmem:$0x1C400] =	vst v63  }
0x7f: {  	_ = 	snop  }
0x80: {  	[spmem:s2] =	stream.indirect.scatter.add.f32 [tilespmem:s19], [sflag:$0x2], $0x80, s12, s13, $0xb8;
	[tilespmem:$0x1C400] =	vst v63  }
0x81: {  	_ =	swait.ge [sflag:s11], $0x4000  }
0x82: {  	[sflag:s11] =	ssyncset.done $0x0  }
0x83: {  	[sflag:s11] =	ssyncadd.s32 $0xFFFFC000  }
0x84: {  	_ =	swait.ge [sflag:s20], $0x4000  }
0x85: {  	[sflag:s20] =	ssyncset.done $0x0  }
0x86: {  	[sflag:s20] =	ssyncadd.s32 $0xFFFFC000  }
0x87: {  	[tilespmem:s19], [sflag:$0x1] =	stream.indirect.gather [hbm4b:s4+s13], $0x80, s15, s13, $0xb8;
	[tilespmem:$0x1C400] =	vst v63  }
0x88: {  	_ = 	snop  }
0x89: {  	[spmem:s2] =	stream.indirect.scatter.add.f32 [tilespmem:s21], [sflag:$0x2], $0x80, s14, s13, $0xb8;
	[tilespmem:$0x1C400] =	vst v63  }
0x8a: {  	_ =	swait.ge [sflag:s11], $0x4000  }
0x8b: {  	[sflag:s11] =	ssyncset.done $0x0  }
0x8c: {  	[sflag:s11] =	ssyncadd.s32 $0xFFFFC000  }
0x8d: {  	_ =	swait.ge [sflag:s20], $0x4000  }
0x8e: {  	[sflag:s20] =	ssyncset.done $0x0  }
0x8f: {  	[sflag:s20] =	ssyncadd.s32 $0xFFFFC000  }
0x90: {  	[tilespmem:s21], [sflag:$0x1] =	stream.indirect.gather [hbm4b:s4+s13], $0x80, s17, s13, $0xb8;
	[tilespmem:$0x1C400] =	vst v63  }
0x91: {  	_ = 	snop  }
0x92: {  	[spmem:s2] =	stream.indirect.scatter.add.f32 [tilespmem:s19], [sflag:$0x2], $0x80, s16, s13, $0xb8;
	[tilespmem:$0x1C400] =	vst v63  }
0x93: {  	_ =	swait.ge [sflag:s11], $0x4000  }
0x94: {  	[sflag:s11] =	ssyncset.done $0x0  }
0x95: {  	[sflag:s11] =	ssyncadd.s32 $0xFFFFC000  }
0x96: {  	_ =	swait.ge [sflag:s20], $0x4000  }
.Ltmp0:
0x97: {  	[sflag:s20] =	ssyncset.done $0x0;
	(pc) =	sbr.rel @p0 .LBB2_2-.Ltmp0, $4  }
0x98: {  	[sflag:s20] =	ssyncadd.s32 $0xFFFFC000  }
0x99: {  	[spmem:s2] =	stream.indirect.scatter.add.f32 [tilespmem:s21], [sflag:$0x2], $0x80, s18, s13, $0xb8;
	[tilespmem:$0x1C400] =	vst v63  }
0x9a: {  	_ =	swait.ge [sflag:s11], $0x4000  }
0x9b: {  	s26 =	smov.u32 s25;
	[sflag:s11] =	ssyncset.done $0x0  }
0x9c: {  	s25 =	sadd.s32 s24, s8;
	[sflag:s11] =	ssyncadd.s32 $0xFFFFC000  }
0x9d: {  	[tilespmem:s3], [sflag:$0x2] =	stream.linear.gather [hbm4b:s25+s3], $0x80, $0x38;
	[tilespmem:$0x1C400] =	vst v63  }
0x9e: {  	_ =	swait.ge [sflag:s11], $0x80  }
0x9f: {  	[sflag:s11] =	ssyncset.done $0x0  }
0xa0: {  	s28 =	sadd.s32 s24, s9;
	[sflag:s11] =	ssyncadd.s32 $0xFFFFFF80  }
0xa1: {  	[tilespmem:s12], [sflag:$0x2] =	stream.linear.gather [hbm4b:s28+s3], $0x80, $0x38;
	[tilespmem:$0x1C400] =	vst v63  }
0xa2: {  	_ =	swait.ge [sflag:s11], $0x80  }
0xa3: {  	[sflag:s11] =	ssyncset.done $0x0  }
0xa4: {  	s26 =	sadd.s32 $0x10, s25;
	[sflag:s11] =	ssyncadd.s32 $0xFFFFFF80  }
0xa5: {  	[tilespmem:s13], [sflag:$0x2] =	stream.linear.gather [hbm4b:s26+s3], $0x80, $0x38;
	[tilespmem:$0x1C400] =	vst v63  }
0xa6: {  	_ =	swait.ge [sflag:s11], $0x80  }
0xa7: {  	[sflag:s11] =	ssyncset.done $0x0  }
0xa8: {  	s29 =	sadd.s32 $0x10, s28;
	[sflag:s11] =	ssyncadd.s32 $0xFFFFFF80  }
0xa9: {  	[tilespmem:s14], [sflag:$0x2] =	stream.linear.gather [hbm4b:s29+s3], $0x80, $0x38;
	[tilespmem:$0x1C400] =	vst v63  }
0xaa: {  	_ =	swait.ge [sflag:s11], $0x80  }
0xab: {  	[sflag:s11] =	ssyncset.done $0x0  }
0xac: {  	s30 =	sadd.s32 $0x20, s25;
	[sflag:s11] =	ssyncadd.s32 $0xFFFFFF80  }
0xad: {  	[tilespmem:s15], [sflag:$0x2] =	stream.linear.gather [hbm4b:s30+s3], $0x80, $0x38;
	[tilespmem:$0x1C400] =	vst v63  }
0xae: {  	_ =	swait.ge [sflag:s11], $0x80  }
0xaf: {  	[sflag:s11] =	ssyncset.done $0x0  }
0xb0: {  	s31 =	sadd.s32 $0x20, s28;
	[sflag:s11] =	ssyncadd.s32 $0xFFFFFF80  }
0xb1: {  	[tilespmem:s16], [sflag:$0x2] =	stream.linear.gather [hbm4b:s31+s3], $0x80, $0x38;
	[tilespmem:$0x1C400] =	vst v63  }
0xb2: {  	_ =	swait.ge [sflag:s11], $0x80  }
0xb3: {  	[sflag:s11] =	ssyncset.done $0x0  }
0xb4: {  	s25 =	sadd.s32 $0x30, s25;
	[sflag:s11] =	ssyncadd.s32 $0xFFFFFF80  }
0xb5: {  	[tilespmem:s17], [sflag:$0x2] =	stream.linear.gather [hbm4b:s25+s3], $0x80, $0x38;
	[tilespmem:$0x1C400] =	vst v63  }
0xb6: {  	_ =	swait.ge [sflag:s11], $0x80  }
0xb7: {  	[sflag:s11] =	ssyncset.done $0x0  }
0xb8: {  	s24 =	sadd.s32 $0x30, s28;
	[sflag:s11] =	ssyncadd.s32 $0xFFFFFF80  }
0xb9: {  	[tilespmem:s18], [sflag:$0x2] =	stream.linear.gather [hbm4b:s24+s3], $0x80, $0x38;
	[tilespmem:$0x1C400] =	vst v63  }
0xba: {  	_ =	swait.ge [sflag:s11], $0x80  }
0xbb: {  	[sflag:s11] =	ssyncset.done $0x0  }
0xbc: {  	[sflag:s11] =	ssyncadd.s32 $0xFFFFFF80  }
0xbd: {  	[tilespmem:s19], [sflag:$0x1] =	stream.indirect.gather [hbm4b:s4+s13], $0x80, s3, s13, $0xb8;
	[tilespmem:$0x1C400] =	vst v63  }
0xbe: {  	_ =	swait.ge [sflag:s20], $0x4000  }
0xbf: {  	[sflag:s20] =	ssyncset.done $0x0  }
0xc0: {  	[sflag:s20] =	ssyncadd.s32 $0xFFFFC000  }
0xc1: {  	[tilespmem:s21], [sflag:$0x1] =	stream.indirect.gather [hbm4b:s4+s13], $0x80, s13, s13, $0xb8;
	[tilespmem:$0x1C400] =	vst v63  }
0xc2: {  	_ = 	snop  }
0xc3: {  	[spmem:s2] =	stream.indirect.scatter.add.f32 [tilespmem:s19], [sflag:$0x2], $0x80, s12, s13, $0xb8;
	[tilespmem:$0x1C400] =	vst v63  }
0xc4: {  	_ =	swait.ge [sflag:s11], $0x4000  }
0xc5: {  	[sflag:s11] =	ssyncset.done $0x0  }
0xc6: {  	[sflag:s11] =	ssyncadd.s32 $0xFFFFC000  }
0xc7: {  	_ =	swait.ge [sflag:s20], $0x4000  }
0xc8: {  	[sflag:s20] =	ssyncset.done $0x0  }
0xc9: {  	[sflag:s20] =	ssyncadd.s32 $0xFFFFC000  }
0xca: {  	[tilespmem:s19], [sflag:$0x1] =	stream.indirect.gather [hbm4b:s4+s13], $0x80, s15, s13, $0xb8;
	[tilespmem:$0x1C400] =	vst v63  }
0xcb: {  	_ = 	snop  }
0xcc: {  	[spmem:s2] =	stream.indirect.scatter.add.f32 [tilespmem:s21], [sflag:$0x2], $0x80, s14, s13, $0xb8;
	[tilespmem:$0x1C400] =	vst v63  }
0xcd: {  	_ =	swait.ge [sflag:s11], $0x4000  }
0xce: {  	[sflag:s11] =	ssyncset.done $0x0  }
0xcf: {  	[sflag:s11] =	ssyncadd.s32 $0xFFFFC000  }
0xd0: {  	_ =	swait.ge [sflag:s20], $0x4000  }
0xd1: {  	[sflag:s20] =	ssyncset.done $0x0  }
0xd2: {  	[sflag:s20] =	ssyncadd.s32 $0xFFFFC000  }
0xd3: {  	[tilespmem:s21], [sflag:$0x1] =	stream.indirect.gather [hbm4b:s4+s13], $0x80, s17, s13, $0xb8;
	[tilespmem:$0x1C400] =	vst v63  }
0xd4: {  	_ = 	snop  }
0xd5: {  	[spmem:s2] =	stream.indirect.scatter.add.f32 [tilespmem:s19], [sflag:$0x2], $0x80, s16, s13, $0xb8;
	[tilespmem:$0x1C400] =	vst v63  }
0xd6: {  	_ =	swait.ge [sflag:s11], $0x4000  }
0xd7: {  	[sflag:s11] =	ssyncset.done $0x0  }
0xd8: {  	[sflag:s11] =	ssyncadd.s32 $0xFFFFC000  }
0xd9: {  	_ =	swait.ge [sflag:s20], $0x4000  }
0xda: {  	[sflag:s20] =	ssyncset.done $0x0  }
0xdb: {  	[sflag:s20] =	ssyncadd.s32 $0xFFFFC000  }
0xdc: {  	[spmem:s2] =	stream.indirect.scatter.add.f32 [tilespmem:s21], [sflag:$0x2], $0x80, s18, s13, $0xb8;
	[tilespmem:$0x1C400] =	vst v63  }
0xdd: {  	_ =	swait.ge [sflag:s11], $0x4000  }
0xde: {  	s23 =	sadd.s32 $0x1, s23;
	[sflag:s11] =	ssyncset.done $0x0  }
0xdf: {  	p0 =	sne.s32 s23, s7;
	[sflag:s11] =	ssyncadd.s32 $0xFFFFC000  }
.Ltmp1:
0xe0: {  	[bflag:$0x0] =	sbarrier.arrive $0xFFFF;
	(pc) =	sbr.rel @p0 .LBB2_1-.Ltmp1, $4  }
0xe1: {  	[hbm:s22], [sflag:s6] =	dma.local [spmem:s10], $0x2800  }
0xe2: {  	_ =	swait.ge [sflag:s11], $0x2800  }
0xe3: {  	[sflag:s11] =	ssyncset.done $0x0  }
0xe4: {  	[sflag:s11] =	ssyncadd.s32 $0xFFFFD800  }
0xe5: {  	_ =	sfence.sel $0x180000  }
0xe6: {  	[bflag:$0x0] =	sbarrier.arrive $0xFFFF  }
0xe7: {  	p0 =	sne.s32 s0, $0x0;
	_ =	strace $0x9000004D  }
0xe8: {  	s0 =	sadd.s32 @!p0 $0x100000, s1;
	[bflag:$0x2] =	sbarrier.arrive $0xFFFF  }
0xe9: {  	[sflag:s0] =	ssyncadd.tile.s32 @!p0 $0x1;
	_ =	shalt  }
.Lfunc_end2:
_tile_overlayer_lowered:
.L_overlay_start_2:
0xea: {  	(tag) =	ssettag $0x2  }
0xeb: {  	s0 =	rddreg [dreg:$0x0];
	s2 =	stileid.u32  }
0xec: {  	s1 =	rddreg [dreg:$0x1];
	p0 =	sne.s32 s2, $0x0  }
0xed: {  	s3 =	rddreg [dreg:$0x2];
	[bflag:$0x3] =	sbarrier.arrive $0xFFFF;
	s2 =	simm.s32 @!p0 $0x1C02  }
0xee: {  	[timem:s3], [sflag:s2] =	dma.local @!p0 [hbm:s0], s1  }
0xef: {  	s0 =	simm.s32 @!p0 $0x2  }
0xf0: {  	_ =	swait.ge @!p0 [sflag:s0], s1  }
0xf1: {  	s1 =	ssub.s32 @!p0 $0x0, s1;
	[sflag:s0] =	ssyncset.done @!p0 $0x0  }
0xf2: {  	[sflag:s0] =	ssyncadd.s32 @!p0 s1  }
0xf3: {  	[bflag:$0x3] =	sbarrier.arrive $0xFFFF  }
0xf4: {  	_ =	shalt  }

// kernel: kernel.8.cloned.1.call-start
scs
__scs_entry_jumppad:
0x0: {  	(pc) =	sbr.rel $0x88, $3  }
0x1: {  	(tag) =	ssettag $0x0;
	lr =	simm.s32 $0x1  }
0x2: {  	[smem:$0x3F9B] =	sst lr;
	_ =	strace $0xD0000000  }
0x3: {  	_ = 	snop  }
0x4: {  	_ = 	snop  }
0x5: {  	_ = 	snop  }
0x6: {  	_ = 	snop  }
0x7: {  	_ = 	snop  }
__scs_overlays_trampoline_lowered:
0x8: {  	[smem:$0x3FAA] =	sst s0  }
0x9: {  	[smem:$0x3FAB] =	sst s1  }
0xa: {  	[smem:$0x3FAC] =	sst s2  }
0xb: {  	[smem:$0x3FAD] =	sst s3  }
0xc: {  	[smem:$0x3FAE] =	sst s4  }
0xd: {  	[smem:$0x3FAF] =	sst s5  }
0xe: {  	[smem:$0x3FB0] =	sst s6  }
0xf: {  	[smem:$0x3FB1] =	sst s7  }
0x10: {  	[smem:$0x3FB2] =	sst s8  }
0x11: {  	[smem:$0x3FB3] =	sst s9;
	s0 =	simm.s32 @!p0 $0x0  }
0x12: {  	s1 =	sld [smem:$0x3F99];
	s0 =	simm.s32 @p0 $0x1  }
0x13: {  	[smem:$0x3FB4] =	sst s0;
	s0 =	simm.s32 @!p1 $0x0  }
0x14: {  	s2 =	sld [smem:$0x3F98];
	s0 =	simm.s32 @p1 $0x1  }
0x15: {  	[smem:$0x3FB5] =	sst s0;
	s0 =	simm.s32 @!p2 $0x0  }
0x16: {  	s3 =	sld [smem:$0x3FDB];
	s0 =	simm.s32 @p2 $0x1  }
0x17: {  	s4 =	simm.s32 $0x1BF5;
	[smem:$0x3FB7] =	sst s0  }
0x18: {  	s0 =	sld [smem:$0x3F9A];
	_ =	swait.ge [sflag:s4], $0x0  }
0x19: {  	s7 =	sld [smem:$0x3F9B]  }
0x1a: {  	s8 =	sadd.s32 $0xFFFFE003, lr  }
0x1b: {  	s9 =	sadd.s32 $0xFFFFFEF7, lr;
	s5 =	simm.s32 $0xFFFFFFFF;
	p2 =	slt.u32 s8, $0xFFFFF086  }
0x1c: {  	p1 =	slt.u32 s9, $0xF7A;
	s5 =	simm.s32 @!p2 $0x0  }
0x1d: {  	s5 =	simm.s32 @p1 $0x1;
	p0 =	seq.s32 s7, s2  }
0x1e: {  	s7 =	smul.u32 @!p0 $0xF7A, s2;
	p2 =	seq.s32 @!p0 s5, $0x0  }
0x1f: {  	s9 =	smul.u32 $0xF7A, s1;
	s8 =	simm.s32 @!p0 $0x1BF5;
	p2 =	por !p2, p0  }
0x20: {  	[sflag:s8] =	ssyncset.s32 @!p0 $0xFFFFF086;
	s6 =	sadd.s32 @!p0 s3, s7;
	s7 =	simm.s32 @!p0 $0x108  }
0x21: {  	s3 =	sadd.s32 s3, s9;
	s6 =	sadd.s32 @!p0 $0x88, s6;
	s7 =	simm.s32 @p2 $0x1082  }
0x22: {  	[simem:s7], [sflag:s8] =	dma.local @!p0 [hbm:s6], $0xF7A  }
0x23: {  	s9 =	sor.u32 $0xD0000000, s2;
	s6 =	simm.s32 $0x108;
	_ =	swait.ge @!p0 [sflag:s8], $0x0  }
0x24: {  	s3 =	sadd.s32 $0x88, s3;
	s6 =	simm.s32 @!p1 $0x1082;
	[sflag:s4] =	ssyncset.s32 $0xFFFFF086  }
0x25: {  	[simem:s6], [sflag:s4] =	dma.local [hbm:s3], $0xF7A  }
0x26: {  	[smem:$0x3F9B] =	sst s1;
	(tag) =	ssettag s2;
	_ =	strace s9  }
0x27: {  	s1 =	sld [smem:$0x3FAB]  }
0x28: {  	s2 =	sld [smem:$0x3FAC]  }
0x29: {  	s4 =	sld [smem:$0x3FAE]  }
0x2a: {  	p0 =	seq.s32 s5, $0x0;
	s5 =	sld [smem:$0x3FAF]  }
0x2b: {  	s6 =	sld [smem:$0x3FB0]  }
0x2c: {  	s7 =	sld [smem:$0x3FB1]  }
0x2d: {  	s3 =	simm.s32 $0x108;
	s8 =	sld [smem:$0x3FB2]  }
0x2e: {  	s3 =	simm.s32 @!p0 $0x1082;
	s9 =	sld [smem:$0x3FB3]  }
0x2f: {  	lr =	sadd.s32 s0, s3;
	s0 =	sld [smem:$0x3FAA]  }
0x30: {  	s3 =	sld [smem:$0x3FAD]  }
0x31: {  	[smem:$0x3FB6] =	sst s10  }
0x32: {  	s10 =	sld [smem:$0x3FB4];
	_ =	sdelay $0x3  }
0x33: {  	p0 =	seq.s32 s10, $0x1;
	s10 =	sld [smem:$0x3FB6];
	_ =	sdelay $0x3  }
0x34: {  	[smem:$0x3FB6] =	sst s10  }
0x35: {  	s10 =	sld [smem:$0x3FB5];
	_ =	sdelay $0x3  }
0x36: {  	p1 =	seq.s32 s10, $0x1;
	s10 =	sld [smem:$0x3FB6];
	_ =	sdelay $0x3  }
0x37: {  	[smem:$0x3FB6] =	sst s10  }
0x38: {  	s10 =	sld [smem:$0x3FB7]  }
0x39: {  	_ = 	snop;
	(pc) =	sbr.ind lr, $3  }
0x3a: {  	_ = 	snop  }
0x3b: {  	_ = 	snop  }
0x3c: {  	p2 =	seq.s32 s10, $0x1;
	s10 =	sld [smem:$0x3FB6]  }
0x3d: {  	_ =	shalt  }
0x3e: {  	_ =	shalt  }
0x3f: {  	_ =	shalt  }
0x40: {  	_ =	shalt  }
0x41: {  	_ =	shalt  }
0x42: {  	_ =	shalt  }
0x43: {  	_ =	shalt  }
0x44: {  	_ =	shalt  }
0x45: {  	_ =	shalt  }
0x46: {  	_ =	shalt  }
0x47: {  	_ =	shalt  }
0x48: {  	_ =	shalt  }
0x49: {  	_ =	shalt  }
0x4a: {  	_ =	shalt  }
0x4b: {  	_ =	shalt  }
0x4c: {  	_ =	shalt  }
0x4d: {  	_ =	shalt  }
0x4e: {  	_ =	shalt  }
0x4f: {  	_ =	shalt  }
0x50: {  	_ =	shalt  }
0x51: {  	_ =	shalt  }
0x52: {  	_ =	shalt  }
0x53: {  	_ =	shalt  }
0x54: {  	_ =	shalt  }
0x55: {  	_ =	shalt  }
0x56: {  	_ =	shalt  }
0x57: {  	_ =	shalt  }
0x58: {  	_ =	shalt  }
0x59: {  	_ =	shalt  }
0x5a: {  	_ =	shalt  }
0x5b: {  	_ =	shalt  }
0x5c: {  	_ =	shalt  }
0x5d: {  	_ =	shalt  }
0x5e: {  	_ =	shalt  }
0x5f: {  	_ =	shalt  }
0x60: {  	_ =	shalt  }
0x61: {  	_ =	shalt  }
0x62: {  	_ =	shalt  }
0x63: {  	_ =	shalt  }
0x64: {  	_ =	shalt  }
0x65: {  	_ =	shalt  }
0x66: {  	_ =	shalt  }
0x67: {  	_ =	shalt  }
0x68: {  	_ =	shalt  }
0x69: {  	_ =	shalt  }
0x6a: {  	_ =	shalt  }
0x6b: {  	_ =	shalt  }
0x6c: {  	_ =	shalt  }
0x6d: {  	_ =	shalt  }
0x6e: {  	_ =	shalt  }
0x6f: {  	_ =	shalt  }
0x70: {  	_ =	shalt  }
0x71: {  	_ =	shalt  }
0x72: {  	_ =	shalt  }
0x73: {  	_ =	shalt  }
0x74: {  	_ =	shalt  }
0x75: {  	_ =	shalt  }
0x76: {  	_ =	shalt  }
0x77: {  	_ =	shalt  }
0x78: {  	_ =	shalt  }
0x79: {  	_ =	shalt  }
0x7a: {  	_ =	shalt  }
0x7b: {  	_ =	shalt  }
0x7c: {  	_ =	shalt  }
0x7d: {  	_ =	shalt  }
0x7e: {  	_ =	shalt  }
0x7f: {  	_ =	shalt  }
0x80: {  	_ =	shalt  }
0x81: {  	_ =	shalt  }
0x82: {  	_ =	shalt  }
0x83: {  	_ =	shalt  }
0x84: {  	_ =	shalt  }
0x85: {  	_ =	shalt  }
0x86: {  	_ =	shalt  }
0x87: {  	_ =	shalt  }
.Lfunc_end0:
.L_simem_size_0:
called_computation_lowered:
.L_overlay_start_0:
0x88: {  	s2 =	sld [smem:$0x3FD9]  }
0x89: {  	s3 =	sld [smem:$0x3FFE];
	_ =	sdelay $0x1  }
0x8a: {  	s1 =	srdreg.scid  }
0x8b: {  	s0 =	sand.u32 $0x1, s1  }
0x8c: {  	s17 =	sshll.u32 s0, $0xA;
	s2 =	sadd.s32 s3, s2  }
0x8d: {  	s2 =	sadd.s32 s2, s17  }
0x8e: {  	[smem:$0x3FC2] =	sst s2  }
0x8f: {  	_ = 	snop  }
0x90: {  	s2 =	sld [smem:$0x3FD0];
	(tm) =	ssettm $0x1  }
0x91: {  	s18 =	sld [smem:$0x3FFB];
	_ =	sdelay $0x3  }
0x92: {  	_ =	strace s18  }
0x93: {  	s3 =	sld [smem:$0x3FFC];
	_ =	sdelay $0x3  }
0x94: {  	_ =	strace s3  }
0x95: {  	s3 =	sld [smem:$0x3FFD];
	_ =	sdelay $0x3  }
0x96: {  	_ =	strace s3  }
0x97: {  	_ =	strace $0x8FFFFFFF  }
0x98: {  	s19 =	sld [smem:$0x3FDB];
	_ =	sdelay $0x1  }
0x99: {  	s4 =	simm.s32 $_scs_section_size  }
0x9a: {  	s5 =	simm.s32 $_size__tile_overlayer_lowered;
	s6 =	simm.s32 $_tile_overlayer_lowered  }
0x9b: {  	s22 =	simm.s32 $0x1BFF;
	s21 =	sshll.u32 s6, $0x1;
	s3 =	sadd.s32 s4, s19  }
0x9c: {  	s7 =	simm.s32 $0x0;
	s20 =	sshll.u32 s5, $0x1;
	s5 =	sadd.s32 s21, s3  }
0x9d: {  	[timem:s7], [sflag:s22] =	dma.local [hbm:s5], s20  }
0x9e: {  	_ =	swait.ge [sflag:s22], s20  }
0x9f: {  	s4 =	ssub.s32 $0x0, s20;
	[sflag:s22] =	ssyncset.done $0x0  }
0xa0: {  	[sflag:s22] =	ssyncadd.s32 s4;
	_ =	sdelay $0x1  }
0xa1: {  	s23 =	simm.s32 $0x1B8B  }
0xa2: {  	_ =	swait.ge [sflag:s23], $0x1  }
0xa3: {  	[sflag:s23] =	ssyncset.done $0x0  }
0xa4: {  	s25 =	simm.s32 $0x1B8E;
	s24 =	sld [smem:$0x3FFE];
	[sflag:s23] =	ssyncadd.s32 $0xFFFFFFFF  }
0xa5: {  	s26 =	simm.s32 $execute0_lowered;
	[smem:$0x3FD2] =	sst s25  }
0xa6: {  	s5 =	sshll.u32 s26, $0x1;
	_ =	strace $0x80000046;
	[dreg:$0x1] =	wrdreg $0xFFFFFFFF  }
0xa7: {  	s28 =	simm.s32 $_size_execute0_lowered;
	s3 =	sadd.s32 s3, s5;
	[dreg:$0x0] =	wrdreg $0x0  }
0xa8: {  	s5 =	sshll.u32 s28, $0x1;
	[dreg:$0x2] =	wrdreg s3  }
0xa9: {  	[dreg:$0x3] =	wrdreg s5  }
0xaa: {  	[dreg:$0x4] =	wrdreg $0xC0  }
0xab: {  	_ =	task [dreg:s7], $0x5FFFF  }
0xac: {  	[dreg:$0x1] =	wrdreg $0xFFFFFFFF  }
0xad: {  	[dreg:$0x0] =	wrdreg $0x60  }
0xae: {  	[dreg:$0x2] =	wrdreg s2  }
0xaf: {  	[dreg:$0x3] =	wrdreg s24  }
0xb0: {  	[dreg:$0x4] =	wrdreg $0x40800  }
0xb1: {  	[dreg:$0x5] =	wrdreg $0x9  }
0xb2: {  	_ =	task.clear_ibuf [dreg:s7], $0x6FFFF;
	_ =	strace $0x90000046  }
0xb3: {  	s29 =	simm.s32 $0x9;
	_ =	strace $0x80000048  }
0xb4: {  	_ =	swait.ge [sflag:s29], $0x1  }
0xb5: {  	[sflag:s29] =	ssyncadd.s32 $0xFFFFFFFF  }
0xb6: {  	_ =	strace $0x90000048  }
0xb7: {  	_ =	sfence  }
0xb8: {  	s30 =	sld [smem:$0x0];
	_ =	sdelay $0x2  }
0xb9: {  	s31 =	sshll.u32 s1, $0xD;
	s1 =	sshrl.u32 s1, $0x2  }
0xba: {  	s3 =	sand.u32 $0x4000, s31;
	s1 =	sadd.s32 s1, s30  }
0xbb: {  	s0 =	sor.u32 s3, s0;
	s1 =	sshll.u32 s1, $0x11  }
0xbc: {  	s0 =	sor.u32 s1, s0  }
0xbd: {  	s0 =	sadd.s32 $0x8F2B, s0  }
0xbe: {  	[sflag:s0] =	ssyncadd.remote.s32 $0x1  }
0xbf: {  	_ =	sfence.sel $0xFFFF  }
0xc0: {  	[dreg:$0x0] =	wrdreg $0xFFFFFFFF;
	(pc) =	sbr.abs _section_cstart, $3  }
0xc1: {  	[dreg:$0x1] =	wrdreg $0xFFFFFFFF  }
0xc2: {  	_ =	task.clear_ibuf [dreg:s7], $0x2FFFF;
	_ =	strace $0x9FFFFFFF  }
0xc3: {  	(tm) =	ssettm $0x7FFFFFFF  }
tec
execute0_lowered:
.L_overlay_start_1:
0x0: {  	(tag) =	ssettag $0x1  }
0x1: {  	s8 =	rddreg [dreg:$0x0]  }
0x2: {  	s5 =	rddreg [dreg:$0x1]  }
0x3: {  	s2 =	rddreg [dreg:$0x2]  }
0x4: {  	s0 =	rddreg [dreg:$0x3];
	s1 =	stileid.u32  }
0x5: {  	s4 =	srdreg.scid;
	s3 =	simm.s32 $0x0;
	s12 =	smul.u32 $0x2800, s1  }
0x6: {  	s6 =	sand.u32 $0x1, s4;
	[smem:$0x7FF] =	sst s3;
	s10 =	smul.u32 $0x50000, s1  }
0x7: {  	s4 =	sadd.s32 $0x29E00, s5;
	s29 =	sshll.u32 s1, $0x6;
	s30 =	smul.u32 $0x500, s1  }
0x8: {  	s7 =	smul.u32 $0x28000, s6;
	_ =	strace $0x80000047;
	s9 =	ssub.s32 $0x2, s6  }
0x9: {  	s14 =	smul.u32 $0x5000, s6;
	s6 =	sor.u32 $0x1C01, s29;
	s11 =	sadd.s32 s12, s5  }
0xa: {  	s13 =	sshrl.u32 s9, $0x1;
	s28 =	sshrl.u32 s10, $0x2;
	s7 =	sadd.s32 s7, s5  }
0xb: {  	s9 =	ssub.s32 s9, s13;
	s10 =	sadd.s32 s28, s2;
	s5 =	sadd.s32 $0x1E00, s11  }
0xc: {  	s8 =	sadd.s32 s14, s8;
	s11 =	simm.s32 $0x80;
	s13 =	simm.s32 $0x0  }
0xd: {  	s31 =	sadd.s32 $0x2A600, s7;
	s7 =	smax.u32 s9, $0x1;
	s8 =	sadd.s32 s30, s8  }
0xe: {  	s9 =	sshrl.u32 s10, $0x3;
	s10 =	simm.s32 $0x1;
	s12 =	sadd.s32 s12, s31  }
.LBB2_1:
0xf: {  	[spmem:s9], [sflag:s6] =	dma.local [hbm:s5], $0x2800  }
0x10: {  	_ =	swait.ge [sflag:s10], $0x2800  }
0x11: {  	[sflag:s10] =	ssyncset.done $0x0  }
0x12: {  	[sflag:s10] =	ssyncadd.s32 $0xFFFFD800  }
0x13: {  	[tilespmem:s11], [sflag:$0x1] =	stream.linear.gather [hbm4b:s4+s3], $0x4000, $0x38;
	[tilespmem:$0x18080] =	vst v63  }
0x14: {  	_ =	swait.ge [sflag:s10], $0x4000  }
0x15: {  	[sflag:s10] =	ssyncset.done $0x0  }
0x16: {  	[sflag:s10] =	ssyncadd.s32 $0xFFFFC000  }
0x17: {  	s14 =	sadd.s32 $0x0, s8;
	[bflag:$0x0] =	sbarrier.arrive $0xFFFF  }
0x18: {  	[tilespmem:s3], [sflag:$0x1] =	stream.linear.gather [hbm4b:s14+s3], $0x80, $0x38;
	[tilespmem:$0x18080] =	vst v63  }
0x19: {  	_ =	swait.ge [sflag:s10], $0x80  }
0x1a: {  	[sflag:s10] =	ssyncset.done $0x0  }
0x1b: {  	[sflag:s10] =	ssyncadd.s32 $0xFFFFFF80  }
0x1c: {  	[spmem:s2] =	stream.indirect.scatter.add.f32 [tilespmem:s11], [sflag:$0x1], $0x80, s3, s11, $0xb8;
	[tilespmem:$0x18080] =	vst v63  }
0x1d: {  	_ =	swait.ge [sflag:s10], $0x4000  }
0x1e: {  	s15 =	simm.s32 $0x20;
	s14 =	simm.s32 $0x10;
	[sflag:s10] =	ssyncset.done $0x0  }
.LBB2_2:
0x1f: {  	s16 =	sadd.s32 s14, s8  }
0x20: {  	[sflag:s10] =	ssyncadd.s32 $0xFFFFC000;
	s14 =	smov.u32 s15;
	s17 =	sadd.s32 $0x10, s15  }
0x21: {  	[tilespmem:s3], [sflag:$0x1] =	stream.linear.gather [hbm4b:s16+s3], $0x80, $0x38;
	[tilespmem:$0x18080] =	vst v63  }
0x22: {  	p0 =	sne.s32 s15, $0x4F0;
	_ =	swait.ge [sflag:s10], $0x80  }
.Ltmp0:
0x23: {  	[sflag:s10] =	ssyncset.done $0x0;
	(pc) =	sbr.rel @p0 .LBB2_2-.Ltmp0, $4  }
0x24: {  	[sflag:s10] =	ssyncadd.s32 $0xFFFFFF80  }
0x25: {  	[spmem:s2] =	stream.indirect.scatter.add.f32 [tilespmem:s11], [sflag:$0x1], $0x80, s3, s11, $0xb8;
	[tilespmem:$0x18080] =	vst v63  }
0x26: {  	_ =	swait.ge [sflag:s10], $0x4000  }
0x27: {  	s15 =	smov.u32 s17;
	[sflag:s10] =	ssyncset.done $0x0  }
0x28: {  	s14 =	sadd.s32 s14, s8;
	[sflag:s10] =	ssyncadd.s32 $0xFFFFC000  }
0x29: {  	[tilespmem:s3], [sflag:$0x1] =	stream.linear.gather [hbm4b:s14+s3], $0x80, $0x38;
	[tilespmem:$0x18080] =	vst v63  }
0x2a: {  	_ =	swait.ge [sflag:s10], $0x80  }
0x2b: {  	[sflag:s10] =	ssyncset.done $0x0  }
0x2c: {  	[sflag:s10] =	ssyncadd.s32 $0xFFFFFF80  }
0x2d: {  	[spmem:s2] =	stream.indirect.scatter.add.f32 [tilespmem:s11], [sflag:$0x1], $0x80, s3, s11, $0xb8;
	[tilespmem:$0x18080] =	vst v63  }
0x2e: {  	_ =	swait.ge [sflag:s10], $0x4000  }
0x2f: {  	s13 =	sadd.s32 $0x1, s13;
	[sflag:s10] =	ssyncset.done $0x0  }
0x30: {  	p0 =	sne.s32 s13, s7;
	[sflag:s10] =	ssyncadd.s32 $0xFFFFC000  }
.Ltmp1:
0x31: {  	[bflag:$0x0] =	sbarrier.arrive $0xFFFF;
	(pc) =	sbr.rel @p0 .LBB2_1-.Ltmp1, $4  }
0x32: {  	[hbm:s12], [sflag:s6] =	dma.local [spmem:s9], $0x2800  }
0x33: {  	_ =	swait.ge [sflag:s10], $0x2800  }
0x34: {  	[sflag:s10] =	ssyncset.done $0x0  }
0x35: {  	[sflag:s10] =	ssyncadd.s32 $0xFFFFD800  }
0x36: {  	_ =	sfence.sel $0x180000  }
0x37: {  	[bflag:$0x0] =	sbarrier.arrive $0xFFFF  }
0x38: {  	p0 =	sne.s32 s1, $0x0;
	_ =	strace $0x90000047  }
0x39: {  	s0 =	sadd.s32 @!p0 $0x100000, s0;
	[bflag:$0x2] =	sbarrier.arrive $0xFFFF  }
0x3a: {  	[sflag:s0] =	ssyncadd.tile.s32 @!p0 $0x1;
	_ =	shalt  }
.Lfunc_end2:
_tile_overlayer_lowered:
.L_overlay_start_2:
0x3b: {  	(tag) =	ssettag $0x2  }
0x3c: {  	s0 =	rddreg [dreg:$0x0];
	s2 =	stileid.u32  }
0x3d: {  	s1 =	rddreg [dreg:$0x1];
	p0 =	sne.s32 s2, $0x0  }
0x3e: {  	s3 =	rddreg [dreg:$0x2];
	[bflag:$0x3] =	sbarrier.arrive $0xFFFF;
	s2 =	simm.s32 @!p0 $0x1C01  }
0x3f: {  	[timem:s3], [sflag:s2] =	dma.local @!p0 [hbm:s0], s1  }
0x40: {  	s0 =	simm.s32 @!p0 $0x1  }
0x41: {  	_ =	swait.ge @!p0 [sflag:s0], s1  }
0x42: {  	s1 =	ssub.s32 @!p0 $0x0, s1;
	[sflag:s0] =	ssyncset.done @!p0 $0x0  }
0x43: {  	[sflag:s0] =	ssyncadd.s32 @!p0 s1  }
0x44: {  	[bflag:$0x3] =	sbarrier.arrive $0xFFFF  }
0x45: {  	_ =	shalt  }

</sc_bundles>
